<compile_context>
chip_gen: v7x
topology: tpu7x:2x2x1
jax: 0.10.2.dev20260603
libtpu: 0.0.44.dev20260713+nightly
codegen_flags: <defaults>
</compile_context>

<pallas_src>
import functools

import jax
import jax.numpy as jnp
from jax import lax
from jax.experimental import pallas as pl
from jax.experimental.pallas import tpu as pltpu
from jax.experimental.pallas import tpu_sc as plsc

NUM_FRAMES = 100000
B = 16384
NC = 2
NS = 16
NW = NC * NS
BPW = B // NW
CH = 128
NCH = BPW // CH
L = 16
PERIOD = 80

DN = 3
DB = 69
FAT = 128
NV = BPW * DN
BV = BPW * DB

FBLK = 8192


def _dg(v, idx):
    dn = lax.GatherDimensionNumbers(
        offset_dims=(), collapsed_slice_dims=(0,), start_index_map=(0,))
    return lax.gather(v, idx[:, None], dn, slice_sizes=(1,),
                      mode=lax.GatherScatterMode.PROMISE_IN_BOUNDS)



def _pack_body(bp_ref, go_ref, tr_ref, out_ref):
    out_ref[:, 0:DB] = bp_ref[...].T
    gt = jnp.concatenate([go_ref[...], tr_ref[...]], axis=0)
    out_ref[:, DB:DB + 2 * DN] = gt.T


def _pack(bp_t, go_t, tr_t):
    grid = (NUM_FRAMES + FBLK - 1) // FBLK
    return pl.pallas_call(
        _pack_body,
        grid=(grid,),
        in_specs=[
            pl.BlockSpec((DB, FBLK), lambda n: (0, n)),
            pl.BlockSpec((DN, FBLK), lambda n: (0, n)),
            pl.BlockSpec((DN, FBLK), lambda n: (0, n)),
        ],
        out_specs=pl.BlockSpec((FBLK, FAT), lambda n: (n, 0)),
        out_shape=jax.ShapeDtypeStruct((NUM_FRAMES, FAT), jnp.float32),
    )(bp_t, go_t, tr_t)



def _body(idx_hbm, betas_hbm, fat_hbm,
          betas_out, go_out, tr_out, bp_out,
          idx_v, win0, win1, go_v, tr_v, bp_v, beta_row, beta_v,
          sem0, sem1):
    c = lax.axis_index("c")
    s = lax.axis_index("s")
    wid = s * NC + c
    lane = lax.iota(jnp.int32, L)

    pltpu.sync_copy(idx_hbm.at[pl.ds(wid * NCH, NCH)], idx_v)

    wins = (win0, win1)
    sems = (sem0, sem1)

    def fire(j):
        return pltpu.async_copy(fat_hbm.at[idx_v.at[j]], wins[j & 1],
                                sems[j & 1])

    inflight = fire(0)

    pltpu.sync_copy(betas_hbm, beta_row.at[pl.ds(0, 10)])
    row_v = beta_row[...]
    vregs = [_dg(row_v, lax.rem(lane + (k * L) % 10, 10))
             for k in range(PERIOD // L)]

    def bfill(i, carry):
        off = i * PERIOD
        for k in range(PERIOD // L):
            beta_v[pl.ds(off + k * L, L)] = vregs[k]
        return carry

    lax.fori_loop(0, BPW * 10 // PERIOD, bfill, 0)
    pltpu.sync_copy(beta_v, betas_out.at[pl.ds(wid * BPW * 10, BPW * 10)])

    rix_go = (lane + DB - 4 * L) & (L - 1)
    rix_tr = (lane + DB + DN - 4 * L) & (L - 1)

    for j in range(NCH):
        nxt = fire(j + 1) if j + 1 < NCH else None
        inflight.wait()
        inflight = nxt
        win = wins[j & 1]

        def ext(t, carry):
            k3 = DN * (j * CH) + DN * t
            k69 = DB * (j * CH) + DB * t
            w4 = win[t, pl.ds(4 * L, L)]
            for m in range(4):
                bp_v[pl.ds(k69 + m * L, L)] = win[t, pl.ds(m * L, L)]
            bp_v[pl.ds(k69 + 4 * L, L)] = w4
            go_v[pl.ds(k3, L)] = _dg(w4, rix_go)
            tr_v[pl.ds(k3, L)] = _dg(w4, rix_tr)
            return carry

        lax.fori_loop(0, CH, ext, 0)

    pltpu.sync_copy(go_v.at[pl.ds(0, NV)], go_out.at[pl.ds(wid * NV, NV)])
    pltpu.sync_copy(tr_v.at[pl.ds(0, NV)], tr_out.at[pl.ds(wid * NV, NV)])
    pltpu.sync_copy(bp_v.at[pl.ds(0, BV)], bp_out.at[pl.ds(wid * BV, BV)])


@jax.jit
def _run(idx2, betas_w, fat):
    mesh = plsc.VectorSubcoreMesh(core_axis_name="c", subcore_axis_name="s")
    f = pl.kernel(
        _body,
        mesh=mesh,
        compiler_params=pltpu.CompilerParams(use_tc_tiling_on_sc=False),
        out_type=(
            jax.ShapeDtypeStruct((B * 10,), jnp.float32),
            jax.ShapeDtypeStruct((B * DN,), jnp.float32),
            jax.ShapeDtypeStruct((B * DN,), jnp.float32),
            jax.ShapeDtypeStruct((B * DB,), jnp.float32),
        ),
        scratch_types=[
            pltpu.VMEM((NCH, CH), jnp.int32),
            pltpu.VMEM((CH, FAT), jnp.float32),
            pltpu.VMEM((CH, FAT), jnp.float32),
            pltpu.VMEM((NV + L,), jnp.float32),
            pltpu.VMEM((NV + L,), jnp.float32),
            pltpu.VMEM((BV + L,), jnp.float32),
            pltpu.VMEM((L,), jnp.float32),
            pltpu.VMEM((BPW * 10,), jnp.float32),
            pltpu.SemaphoreType.DMA,
            pltpu.SemaphoreType.DMA,
        ],
    )
    return f(idx2, betas_w, fat)


def kernel(frame_ids, betas_w, global_orient_w, transl_w, body_pose_w):
    idx2 = frame_ids.astype(jnp.int32).reshape(NW * NCH, CH)
    fat = _pack(body_pose_w.T, global_orient_w.T, transl_w.T)
    betas_f, go_f, tr_f, bp_f = _run(idx2, betas_w.reshape(10), fat)
    return (betas_f.reshape(B, 10), go_f.reshape(B, DN),
            tr_f.reshape(B, DN), bp_f.reshape(B, DB))

# --- scband reference (transcript-rebuilt; emitter-appended) ---
"""Pipeline reference for scband-body-model-params-48284022341872 (READ-ONLY COPY).

The authoritative reference and input builder live on the scoring server;
editing this copy changes nothing except your own understanding.
"""

import jax, jax.numpy as jnp
import numpy as np

NUM_FRAMES = 100000
BATCH = 16384

def setup_inputs(seed: int = 0) -> dict:
    key = jax.random.key(seed)
    k1, k2, k3, k4, k5 = jax.random.split(key, 5)
    frame_ids = jax.random.randint(k1, (BATCH,), 0, NUM_FRAMES, dtype=jnp.int64 if jax.config.jax_enable_x64 else jnp.int32)
    # Learned parameter tables (Embedding weights). Original init is zeros; use
    # small random values so gradients/outputs are numerically meaningful.
    betas_w = jax.random.normal(k2, (1, 10), dtype=jnp.float32) * 0.02
    global_orient_w = jax.random.normal(k3, (NUM_FRAMES, 3), dtype=jnp.float32) * 0.02
    transl_w = jax.random.normal(k4, (NUM_FRAMES, 3), dtype=jnp.float32) * 0.02
    body_pose_w = jax.random.normal(k5, (NUM_FRAMES, 69), dtype=jnp.float32) * 0.02
    return {
        "frame_ids": frame_ids,
        "betas_w": betas_w,
        "global_orient_w": global_orient_w,
        "transl_w": transl_w,
        "body_pose_w": body_pose_w,
    }

def reference(frame_ids, betas_w, global_orient_w, transl_w, body_pose_w):
    # betas uses zeros_like(frame_ids) as indices -> row 0 broadcast to [N, 10]
    zero_ids = jnp.zeros_like(frame_ids)
    betas = jnp.take(betas_w, zero_ids, axis=0)
    global_orient = jnp.take(global_orient_w, frame_ids, axis=0)
    transl = jnp.take(transl_w, frame_ids, axis=0)
    body_pose = jnp.take(body_pose_w, frame_ids, axis=0)
    return (betas, global_orient, transl, body_pose)

if __name__ == "__main__":
    import jax
    _d = setup_inputs()
    print(jax.jit(kernel)(*tuple(_d.values())))

</pallas_src>

<mosaic_0001>
#map = affine_map<(d0, d1) -> (0, 0)>
#map1 = affine_map<(d0, d1) -> (0)>
module attributes {stable_mosaic.version = 14 : i64} {
  func.func @_body(%arg0: i32, %arg1: i32, %arg2: memref<128x128xi32, #tpu.memory_space<hbm>>, %arg3: memref<10xf32, #tpu.memory_space<hbm>>, %arg4: memref<100000x128xf32, #tpu.memory_space<hbm>>, %arg5: memref<163840xf32, #tpu.memory_space<hbm>>, %arg6: memref<49152xf32, #tpu.memory_space<hbm>>, %arg7: memref<49152xf32, #tpu.memory_space<hbm>>, %arg8: memref<1130496xf32, #tpu.memory_space<hbm>>, %arg9: memref<4x128xi32, #tpu.memory_space<vmem>>, %arg10: memref<128x128xf32, #tpu.memory_space<vmem>>, %arg11: memref<128x128xf32, #tpu.memory_space<vmem>>, %arg12: memref<1552xf32, #tpu.memory_space<vmem>>, %arg13: memref<1552xf32, #tpu.memory_space<vmem>>, %arg14: memref<35344xf32, #tpu.memory_space<vmem>>, %arg15: memref<16xf32, #tpu.memory_space<vmem>>, %arg16: memref<5120xf32, #tpu.memory_space<vmem>>, %arg17: memref<!tpu.dma_semaphore, #tpu.memory_space<semaphore_mem>>, %arg18: memref<!tpu.dma_semaphore, #tpu.memory_space<semaphore_mem>>) attributes {dimension_semantics = [#tpu.dimension_semantics<core_parallel>, #tpu.dimension_semantics<subcore_parallel>], iteration_bounds = array<i64: 2, 16>, scalar_prefetch = 0 : i64, scratch_operands = 10 : i64, tpu.core_type = #tpu.core_type<sc_vector_subcore>, window_params = [{transform_indices = #map}, {transform_indices = #map1}, {transform_indices = #map}, {transform_indices = #map1}, {transform_indices = #map1}, {transform_indices = #map1}, {transform_indices = #map1}]} {
    %mul3A = arith.constant 2 : i32
    %mul3A_0 = arith.muli %arg1, %mul3A : i32
    %add3A = arith.addi %mul3A_0, %arg0 : i32
    %iota3A = tpu.iota {dimensions = array<i32: 0>} : vector<16xi32>
    %mul3A_1 = arith.constant 4 : i32
    %mul3A_2 = arith.muli %add3A, %mul3A_1 : i32
    "tpu.region"() ({
      %run_scoped3A = tpu.sem_alloc : memref<!tpu.dma_semaphore, #tpu.memory_space<semaphore_mem>>
      %dma_start3A_159 = arith.constant 0 : i32
      %dma_start3A_160 = tpu.memref_slice %arg2[%mul3A_2, %dma_start3A_159] : memref<128x128xi32, #tpu.memory_space<hbm>> -> memref<4x128xi32, #tpu.memory_space<hbm>>
      %dma_start3A_161 = arith.constant 0 : i32
      %dma_start3A_162 = tpu.memref_slice %arg2[%mul3A_2, %dma_start3A_161] : memref<128x128xi32, #tpu.memory_space<hbm>> -> memref<4x128xi32, #tpu.memory_space<hbm>>
      tpu.enqueue_dma source(%dma_start3A_162 : memref<4x128xi32, #tpu.memory_space<hbm>>) target(%arg9 : memref<4x128xi32, #tpu.memory_space<vmem>>) target_semaphore(%run_scoped3A : memref<!tpu.dma_semaphore, #tpu.memory_space<semaphore_mem>>)
      %dma_wait3A_163 = arith.constant 0 : i32
      %dma_wait3A_164 = tpu.memref_slice %arg2[%mul3A_2, %dma_wait3A_163] : memref<128x128xi32, #tpu.memory_space<hbm>> -> memref<4x128xi32, #tpu.memory_space<hbm>>
      %dma_wait3A_165 = arith.constant 0 : i32
      %dma_wait3A_166 = tpu.memref_slice %arg2[%mul3A_2, %dma_wait3A_165] : memref<128x128xi32, #tpu.memory_space<hbm>> -> memref<4x128xi32, #tpu.memory_space<hbm>>
      tpu.wait_dma2 semaphore(%run_scoped3A : memref<!tpu.dma_semaphore, #tpu.memory_space<semaphore_mem>>) src(%dma_wait3A_166 : memref<4x128xi32, #tpu.memory_space<hbm>>) dst(%arg9 : memref<4x128xi32, #tpu.memory_space<vmem>>)
      tpu.yield
    }) : () -> ()
    %dma_start3A = arith.constant 0 : i32
    %dma_start3A_3 = arith.constant 0 : i32
    %dma_start3A_4 = tpu.memref_slice %arg9[%dma_start3A, %dma_start3A_3] : memref<4x128xi32, #tpu.memory_space<vmem>> -> memref<1x128xi32, #tpu.memory_space<vmem>>
    %dma_start3A_5 = tpu.memref_squeeze %dma_start3A_4 : memref<1x128xi32, #tpu.memory_space<vmem>> -> memref<128xi32, #tpu.memory_space<vmem>>
    %dma_start3A_6 = arith.constant 0 : i32
    %dma_start3A_7 = arith.constant 0 : i32
    %dma_start3A_8 = tpu.memref_slice %arg4[%dma_start3A_6, %dma_start3A_7] : memref<100000x128xf32, #tpu.memory_space<hbm>> -> memref<100000x128xf32, #tpu.memory_space<hbm>>
    tpu.enqueue_indirect_dma source(%dma_start3A_8 : memref<100000x128xf32, #tpu.memory_space<hbm>>) target(%arg10 : memref<128x128xf32, #tpu.memory_space<vmem>>) offsets(%dma_start3A_5 : memref<128xi32, #tpu.memory_space<vmem>>) semaphore(%arg17 : memref<!tpu.dma_semaphore, #tpu.memory_space<semaphore_mem>>)
    "tpu.region"() ({
      %run_scoped3A = tpu.sem_alloc : memref<!tpu.dma_semaphore, #tpu.memory_space<semaphore_mem>>
      %dma_start3A_159 = arith.constant 0 : i32
      %dma_start3A_160 = tpu.memref_slice %arg15[%dma_start3A_159] : memref<16xf32, #tpu.memory_space<vmem>> -> memref<10xf32, #tpu.memory_space<vmem>>
      %dma_start3A_161 = arith.constant 0 : i32
      %dma_start3A_162 = tpu.memref_slice %arg15[%dma_start3A_161] : memref<16xf32, #tpu.memory_space<vmem>> -> memref<10xf32, #tpu.memory_space<vmem>>
      tpu.enqueue_dma source(%arg3 : memref<10xf32, #tpu.memory_space<hbm>>) target(%dma_start3A_162 : memref<10xf32, #tpu.memory_space<vmem>>) target_semaphore(%run_scoped3A : memref<!tpu.dma_semaphore, #tpu.memory_space<semaphore_mem>>)
      %dma_wait3A_163 = arith.constant 0 : i32
      %dma_wait3A_164 = tpu.memref_slice %arg15[%dma_wait3A_163] : memref<16xf32, #tpu.memory_space<vmem>> -> memref<10xf32, #tpu.memory_space<vmem>>
      %dma_wait3A_165 = arith.constant 0 : i32
      %dma_wait3A_166 = tpu.memref_slice %arg15[%dma_wait3A_165] : memref<16xf32, #tpu.memory_space<vmem>> -> memref<10xf32, #tpu.memory_space<vmem>>
      tpu.wait_dma2 semaphore(%run_scoped3A : memref<!tpu.dma_semaphore, #tpu.memory_space<semaphore_mem>>) src(%arg3 : memref<10xf32, #tpu.memory_space<hbm>>) dst(%dma_wait3A_166 : memref<10xf32, #tpu.memory_space<vmem>>)
      tpu.yield
    }) : () -> ()
    %get3A = arith.constant 0 : index
    %get3A_9 = tpu.vector_load %arg15[%get3A] {strides = array<i32>} : memref<16xf32, #tpu.memory_space<vmem>>, vector<16xf32>,
    %get3A_10 = vector.shape_cast %get3A_9 : vector<16xf32> to vector<16xf32>
    %add3A_11 = arith.constant 0 : i32
    %add3A_12 = vector.broadcast %add3A_11 : i32 to vector<16xi32>
    %add3A_13 = arith.addi %iota3A, %add3A_12 : vector<16xi32>
    %rem3A = arith.constant 10 : i32
    %rem3A_14 = vector.broadcast %rem3A : i32 to vector<16xi32>
    %rem3A_15 = arith.remsi %add3A_13, %rem3A_14 : vector<16xi32>
    %broadcast_in_dim3A = vector.shape_cast %rem3A_15 : vector<16xi32> to vector<16x1xi32>
    %gather3A = vector.shape_cast %broadcast_in_dim3A : vector<16x1xi32> to vector<16xi32>
    %gather3A_16 = tpu.dynamic_gather %get3A_10[%gather3A] in [0] : vector<16xf32>, vector<16xi32> -> vector<16xf32>
    %add3A_17 = arith.constant 6 : i32
    %add3A_18 = vector.broadcast %add3A_17 : i32 to vector<16xi32>
    %add3A_19 = arith.addi %iota3A, %add3A_18 : vector<16xi32>
    %rem3A_20 = arith.constant 10 : i32
    %rem3A_21 = vector.broadcast %rem3A_20 : i32 to vector<16xi32>
    %rem3A_22 = arith.remsi %add3A_19, %rem3A_21 : vector<16xi32>
    %broadcast_in_dim3A_23 = vector.shape_cast %rem3A_22 : vector<16xi32> to vector<16x1xi32>
    %gather3A_24 = vector.shape_cast %broadcast_in_dim3A_23 : vector<16x1xi32> to vector<16xi32>
    %gather3A_25 = tpu.dynamic_gather %get3A_10[%gather3A_24] in [0] : vector<16xf32>, vector<16xi32> -> vector<16xf32>
    %add3A_26 = arith.constant 2 : i32
    %add3A_27 = vector.broadcast %add3A_26 : i32 to vector<16xi32>
    %add3A_28 = arith.addi %iota3A, %add3A_27 : vector<16xi32>
    %rem3A_29 = arith.constant 10 : i32
    %rem3A_30 = vector.broadcast %rem3A_29 : i32 to vector<16xi32>
    %rem3A_31 = arith.remsi %add3A_28, %rem3A_30 : vector<16xi32>
    %broadcast_in_dim3A_32 = vector.shape_cast %rem3A_31 : vector<16xi32> to vector<16x1xi32>
    %gather3A_33 = vector.shape_cast %broadcast_in_dim3A_32 : vector<16x1xi32> to vector<16xi32>
    %gather3A_34 = tpu.dynamic_gather %get3A_10[%gather3A_33] in [0] : vector<16xf32>, vector<16xi32> -> vector<16xf32>
    %add3A_35 = arith.constant 8 : i32
    %add3A_36 = vector.broadcast %add3A_35 : i32 to vector<16xi32>
    %add3A_37 = arith.addi %iota3A, %add3A_36 : vector<16xi32>
    %rem3A_38 = arith.constant 10 : i32
    %rem3A_39 = vector.broadcast %rem3A_38 : i32 to vector<16xi32>
    %rem3A_40 = arith.remsi %add3A_37, %rem3A_39 : vector<16xi32>
    %broadcast_in_dim3A_41 = vector.shape_cast %rem3A_40 : vector<16xi32> to vector<16x1xi32>
    %gather3A_42 = vector.shape_cast %broadcast_in_dim3A_41 : vector<16x1xi32> to vector<16xi32>
    %gather3A_43 = tpu.dynamic_gather %get3A_10[%gather3A_42] in [0] : vector<16xf32>, vector<16xi32> -> vector<16xf32>
    %add3A_44 = arith.constant 4 : i32
    %add3A_45 = vector.broadcast %add3A_44 : i32 to vector<16xi32>
    %add3A_46 = arith.addi %iota3A, %add3A_45 : vector<16xi32>
    %rem3A_47 = arith.constant 10 : i32
    %rem3A_48 = vector.broadcast %rem3A_47 : i32 to vector<16xi32>
    %rem3A_49 = arith.remsi %add3A_46, %rem3A_48 : vector<16xi32>
    %broadcast_in_dim3A_50 = vector.shape_cast %rem3A_49 : vector<16xi32> to vector<16x1xi32>
    %gather3A_51 = vector.shape_cast %broadcast_in_dim3A_50 : vector<16x1xi32> to vector<16xi32>
    %gather3A_52 = tpu.dynamic_gather %get3A_10[%gather3A_51] in [0] : vector<16xf32>, vector<16xi32> -> vector<16xf32>
    %scan3A = arith.constant 0 : i32
    %scan3A_53 = arith.constant 0 : i32
    %scan3A_54 = arith.constant 64 : i32
    %scan3A_55 = arith.addi %scan3A_53, %scan3A_54 : i32
    %scan3A_56 = arith.constant 1 : i32
    scf.for %scan3A_159 = %scan3A_53 to %scan3A_55 step %scan3A_56  : i32 {
      %mul3A_160 = arith.constant 80 : i32
      %mul3A_161 = arith.muli %scan3A_159, %mul3A_160 : i32
      %add3A_162 = arith.constant 0 : i32
      %add3A_163 = arith.addi %mul3A_161, %add3A_162 : i32
      %swap3A = arith.index_cast %add3A_163 : i32 to index
      %swap3A_164 = tpu.vector_load %arg16[%swap3A] {strides = array<i32>} : memref<5120xf32, #tpu.memory_space<vmem>>, vector<16xf32>,
      %swap3A_165 = vector.shape_cast %swap3A_164 : vector<16xf32> to vector<16xf32>
      %swap3A_166 = vector.shape_cast %gather3A_16 : vector<16xf32> to vector<16xf32>
      tpu.vector_store %arg16[%swap3A], %swap3A_166 {strides = array<i32>} : memref<5120xf32, #tpu.memory_space<vmem>>, vector<16xf32>,
      %add3A_167 = arith.constant 16 : i32
      %add3A_168 = arith.addi %mul3A_161, %add3A_167 : i32
      %swap3A_169 = arith.index_cast %add3A_168 : i32 to index
      %swap3A_170 = tpu.vector_load %arg16[%swap3A_169] {strides = array<i32>} : memref<5120xf32, #tpu.memory_space<vmem>>, vector<16xf32>,
      %swap3A_171 = vector.shape_cast %swap3A_170 : vector<16xf32> to vector<16xf32>
      %swap3A_172 = vector.shape_cast %gather3A_25 : vector<16xf32> to vector<16xf32>
      tpu.vector_store %arg16[%swap3A_169], %swap3A_172 {strides = array<i32>} : memref<5120xf32, #tpu.memory_space<vmem>>, vector<16xf32>,
      %add3A_173 = arith.constant 32 : i32
      %add3A_174 = arith.addi %mul3A_161, %add3A_173 : i32
      %swap3A_175 = arith.index_cast %add3A_174 : i32 to index
      %swap3A_176 = tpu.vector_load %arg16[%swap3A_175] {strides = array<i32>} : memref<5120xf32, #tpu.memory_space<vmem>>, vector<16xf32>,
      %swap3A_177 = vector.shape_cast %swap3A_176 : vector<16xf32> to vector<16xf32>
      %swap3A_178 = vector.shape_cast %gather3A_34 : vector<16xf32> to vector<16xf32>
      tpu.vector_store %arg16[%swap3A_175], %swap3A_178 {strides = array<i32>} : memref<5120xf32, #tpu.memory_space<vmem>>, vector<16xf32>,
      %add3A_179 = arith.constant 48 : i32
      %add3A_180 = arith.addi %mul3A_161, %add3A_179 : i32
      %swap3A_181 = arith.index_cast %add3A_180 : i32 to index
      %swap3A_182 = tpu.vector_load %arg16[%swap3A_181] {strides = array<i32>} : memref<5120xf32, #tpu.memory_space<vmem>>, vector<16xf32>,
      %swap3A_183 = vector.shape_cast %swap3A_182 : vector<16xf32> to vector<16xf32>
      %swap3A_184 = vector.shape_cast %gather3A_43 : vector<16xf32> to vector<16xf32>
      tpu.vector_store %arg16[%swap3A_181], %swap3A_184 {strides = array<i32>} : memref<5120xf32, #tpu.memory_space<vmem>>, vector<16xf32>,
      %add3A_185 = arith.constant 64 : i32
      %add3A_186 = arith.addi %mul3A_161, %add3A_185 : i32
      %swap3A_187 = arith.index_cast %add3A_186 : i32 to index
      %swap3A_188 = tpu.vector_load %arg16[%swap3A_187] {strides = array<i32>} : memref<5120xf32, #tpu.memory_space<vmem>>, vector<16xf32>,
      %swap3A_189 = vector.shape_cast %swap3A_188 : vector<16xf32> to vector<16xf32>
      %swap3A_190 = vector.shape_cast %gather3A_52 : vector<16xf32> to vector<16xf32>
      tpu.vector_store %arg16[%swap3A_187], %swap3A_190 {strides = array<i32>} : memref<5120xf32, #tpu.memory_space<vmem>>, vector<16xf32>,
    }
    %scan3A_57 = arith.constant 64 : i32
    %mul3A_58 = arith.constant 512 : i32
    %mul3A_59 = arith.muli %add3A, %mul3A_58 : i32
    %mul3A_60 = arith.constant 10 : i32
    %mul3A_61 = arith.muli %mul3A_59, %mul3A_60 : i32
    "tpu.region"() ({
      %run_scoped3A = tpu.sem_alloc : memref<!tpu.dma_semaphore, #tpu.memory_space<semaphore_mem>>
      %dma_start3A_159 = tpu.memref_slice %arg5[%mul3A_61] : memref<163840xf32, #tpu.memory_space<hbm>> -> memref<5120xf32, #tpu.memory_space<hbm>>
      %dma_start3A_160 = tpu.memref_slice %arg5[%mul3A_61] : memref<163840xf32, #tpu.memory_space<hbm>> -> memref<5120xf32, #tpu.memory_space<hbm>>
      tpu.enqueue_dma source(%arg16 : memref<5120xf32, #tpu.memory_space<vmem>>) target(%dma_start3A_160 : memref<5120xf32, #tpu.memory_space<hbm>>) target_semaphore(%run_scoped3A : memref<!tpu.dma_semaphore, #tpu.memory_space<semaphore_mem>>)
      %dma_wait3A_161 = tpu.memref_slice %arg5[%mul3A_61] : memref<163840xf32, #tpu.memory_space<hbm>> -> memref<5120xf32, #tpu.memory_space<hbm>>
      %dma_wait3A_162 = tpu.memref_slice %arg5[%mul3A_61] : memref<163840xf32, #tpu.memory_space<hbm>> -> memref<5120xf32, #tpu.memory_space<hbm>>
      tpu.wait_dma2 semaphore(%run_scoped3A : memref<!tpu.dma_semaphore, #tpu.memory_space<semaphore_mem>>) src(%arg16 : memref<5120xf32, #tpu.memory_space<vmem>>) dst(%dma_wait3A_162 : memref<5120xf32, #tpu.memory_space<hbm>>)
      tpu.yield
    }) : () -> ()
    %add3A_62 = arith.constant 69 : i32
    %add3A_63 = vector.broadcast %add3A_62 : i32 to vector<16xi32>
    %add3A_64 = arith.addi %iota3A, %add3A_63 : vector<16xi32>
    %sub3A = arith.constant 64 : i32
    %sub3A_65 = vector.broadcast %sub3A : i32 to vector<16xi32>
    %sub3A_66 = arith.subi %add3A_64, %sub3A_65 : vector<16xi32>
    %and3A = arith.constant 15 : i32
    %and3A_67 = vector.broadcast %and3A : i32 to vector<16xi32>
    %and3A_68 = arith.andi %sub3A_66, %and3A_67 : vector<16xi32>
    %add3A_69 = arith.constant 69 : i32
    %add3A_70 = vector.broadcast %add3A_69 : i32 to vector<16xi32>
    %add3A_71 = arith.addi %iota3A, %add3A_70 : vector<16xi32>
    %add3A_72 = arith.constant 3 : i32
    %add3A_73 = vector.broadcast %add3A_72 : i32 to vector<16xi32>
    %add3A_74 = arith.addi %add3A_71, %add3A_73 : vector<16xi32>
    %sub3A_75 = arith.constant 64 : i32
    %sub3A_76 = vector.broadcast %sub3A_75 : i32 to vector<16xi32>
    %sub3A_77 = arith.subi %add3A_74, %sub3A_76 : vector<16xi32>
    %and3A_78 = arith.constant 15 : i32
    %and3A_79 = vector.broadcast %and3A_78 : i32 to vector<16xi32>
    %and3A_80 = arith.andi %sub3A_77, %and3A_79 : vector<16xi32>
    %dma_start3A_81 = arith.constant 1 : i32
    %dma_start3A_82 = arith.constant 0 : i32
    %dma_start3A_83 = tpu.memref_slice %arg9[%dma_start3A_81, %dma_start3A_82] : memref<4x128xi32, #tpu.memory_space<vmem>> -> memref<1x128xi32, #tpu.memory_space<vmem>>
    %dma_start3A_84 = tpu.memref_squeeze %dma_start3A_83 : memref<1x128xi32, #tpu.memory_space<vmem>> -> memref<128xi32, #tpu.memory_space<vmem>>
    %dma_start3A_85 = arith.constant 0 : i32
    %dma_start3A_86 = arith.constant 0 : i32
    %dma_start3A_87 = tpu.memref_slice %arg4[%dma_start3A_85, %dma_start3A_86] : memref<100000x128xf32, #tpu.memory_space<hbm>> -> memref<100000x128xf32, #tpu.memory_space<hbm>>
    tpu.enqueue_indirect_dma source(%dma_start3A_87 : memref<100000x128xf32, #tpu.memory_space<hbm>>) target(%arg11 : memref<128x128xf32, #tpu.memory_space<vmem>>) offsets(%dma_start3A_84 : memref<128xi32, #tpu.memory_space<vmem>>) semaphore(%arg18 : memref<!tpu.dma_semaphore, #tpu.memory_space<semaphore_mem>>)
    %dma_wait3A = arith.constant 0 : i32
    %dma_wait3A_88 = arith.constant 0 : i32
    %dma_wait3A_89 = tpu.memref_slice %arg9[%dma_wait3A, %dma_wait3A_88] : memref<4x128xi32, #tpu.memory_space<vmem>> -> memref<1x128xi32, #tpu.memory_space<vmem>>
    %dma_wait3A_90 = tpu.memref_squeeze %dma_wait3A_89 : memref<1x128xi32, #tpu.memory_space<vmem>> -> memref<128xi32, #tpu.memory_space<vmem>>
    %dma_wait3A_91 = arith.constant 0 : i32
    %dma_wait3A_92 = arith.constant 0 : i32
    %dma_wait3A_93 = tpu.memref_slice %arg4[%dma_wait3A_91, %dma_wait3A_92] : memref<100000x128xf32, #tpu.memory_space<hbm>> -> memref<100000x128xf32, #tpu.memory_space<hbm>>
    tpu.wait_indirect_dma semaphore(%arg17 : memref<!tpu.dma_semaphore, #tpu.memory_space<semaphore_mem>>) src(%dma_wait3A_93 : memref<100000x128xf32, #tpu.memory_space<hbm>>) dst(%arg10 : memref<128x128xf32, #tpu.memory_space<vmem>>)
    %scan3A_94 = arith.constant 0 : i32
    %scan3A_95 = arith.constant 0 : i32
    %scan3A_96 = arith.constant 128 : i32
    %scan3A_97 = arith.addi %scan3A_95, %scan3A_96 : i32
    %scan3A_98 = arith.constant 1 : i32
    scf.for %scan3A_159 = %scan3A_95 to %scan3A_97 step %scan3A_98  : i32 {
      %mul3A_160 = arith.constant 3 : i32
      %mul3A_161 = arith.muli %mul3A_160, %scan3A_159 : i32
      %add3A_162 = arith.constant 0 : i32
      %add3A_163 = arith.addi %add3A_162, %mul3A_161 : i32
      %mul3A_164 = arith.constant 69 : i32
      %mul3A_165 = arith.muli %mul3A_164, %scan3A_159 : i32
      %add3A_166 = arith.constant 0 : i32
      %add3A_167 = arith.addi %add3A_166, %mul3A_165 : i32
      %get3A_168 = arith.index_cast %scan3A_159 : i32 to index
      %get3A_169 = arith.constant 64 : index
      %get3A_170 = tpu.vector_load %arg10[%get3A_168, %get3A_169] {strides = array<i32>} : memref<128x128xf32, #tpu.memory_space<vmem>>, vector<1x16xf32>,
      %get3A_171 = vector.shape_cast %get3A_170 : vector<1x16xf32> to vector<16xf32>
      %get3A_172 = arith.index_cast %scan3A_159 : i32 to index
      %get3A_173 = arith.constant 0 : index
      %get3A_174 = tpu.vector_load %arg10[%get3A_172, %get3A_173] {strides = array<i32>} : memref<128x128xf32, #tpu.memory_space<vmem>>, vector<1x16xf32>,
      %get3A_175 = vector.shape_cast %get3A_174 : vector<1x16xf32> to vector<16xf32>
      %add3A_176 = arith.constant 0 : i32
      %add3A_177 = arith.addi %add3A_167, %add3A_176 : i32
      %swap3A = arith.index_cast %add3A_177 : i32 to index
      %swap3A_178 = tpu.vector_load %arg14[%swap3A] {strides = array<i32>} : memref<35344xf32, #tpu.memory_space<vmem>>, vector<16xf32>,
      %swap3A_179 = vector.shape_cast %swap3A_178 : vector<16xf32> to vector<16xf32>
      %swap3A_180 = vector.shape_cast %get3A_175 : vector<16xf32> to vector<16xf32>
      tpu.vector_store %arg14[%swap3A], %swap3A_180 {strides = array<i32>} : memref<35344xf32, #tpu.memory_space<vmem>>, vector<16xf32>,
      %get3A_181 = arith.index_cast %scan3A_159 : i32 to index
      %get3A_182 = arith.constant 16 : index
      %get3A_183 = tpu.vector_load %arg10[%get3A_181, %get3A_182] {strides = array<i32>} : memref<128x128xf32, #tpu.memory_space<vmem>>, vector<1x16xf32>,
      %get3A_184 = vector.shape_cast %get3A_183 : vector<1x16xf32> to vector<16xf32>
      %add3A_185 = arith.constant 16 : i32
      %add3A_186 = arith.addi %add3A_167, %add3A_185 : i32
      %swap3A_187 = arith.index_cast %add3A_186 : i32 to index
      %swap3A_188 = tpu.vector_load %arg14[%swap3A_187] {strides = array<i32>} : memref<35344xf32, #tpu.memory_space<vmem>>, vector<16xf32>,
      %swap3A_189 = vector.shape_cast %swap3A_188 : vector<16xf32> to vector<16xf32>
      %swap3A_190 = vector.shape_cast %get3A_184 : vector<16xf32> to vector<16xf32>
      tpu.vector_store %arg14[%swap3A_187], %swap3A_190 {strides = array<i32>} : memref<35344xf32, #tpu.memory_space<vmem>>, vector<16xf32>,
      %get3A_191 = arith.index_cast %scan3A_159 : i32 to index
      %get3A_192 = arith.constant 32 : index
      %get3A_193 = tpu.vector_load %arg10[%get3A_191, %get3A_192] {strides = array<i32>} : memref<128x128xf32, #tpu.memory_space<vmem>>, vector<1x16xf32>,
      %get3A_194 = vector.shape_cast %get3A_193 : vector<1x16xf32> to vector<16xf32>
      %add3A_195 = arith.constant 32 : i32
      %add3A_196 = arith.addi %add3A_167, %add3A_195 : i32
      %swap3A_197 = arith.index_cast %add3A_196 : i32 to index
      %swap3A_198 = tpu.vector_load %arg14[%swap3A_197] {strides = array<i32>} : memref<35344xf32, #tpu.memory_space<vmem>>, vector<16xf32>,
      %swap3A_199 = vector.shape_cast %swap3A_198 : vector<16xf32> to vector<16xf32>
      %swap3A_200 = vector.shape_cast %get3A_194 : vector<16xf32> to vector<16xf32>
      tpu.vector_store %arg14[%swap3A_197], %swap3A_200 {strides = array<i32>} : memref<35344xf32, #tpu.memory_space<vmem>>, vector<16xf32>,
      %get3A_201 = arith.index_cast %scan3A_159 : i32 to index
      %get3A_202 = arith.constant 48 : index
      %get3A_203 = tpu.vector_load %arg10[%get3A_201, %get3A_202] {strides = array<i32>} : memref<128x128xf32, #tpu.memory_space<vmem>>, vector<1x16xf32>,
      %get3A_204 = vector.shape_cast %get3A_203 : vector<1x16xf32> to vector<16xf32>
      %add3A_205 = arith.constant 48 : i32
      %add3A_206 = arith.addi %add3A_167, %add3A_205 : i32
      %swap3A_207 = arith.index_cast %add3A_206 : i32 to index
      %swap3A_208 = tpu.vector_load %arg14[%swap3A_207] {strides = array<i32>} : memref<35344xf32, #tpu.memory_space<vmem>>, vector<16xf32>,
      %swap3A_209 = vector.shape_cast %swap3A_208 : vector<16xf32> to vector<16xf32>
      %swap3A_210 = vector.shape_cast %get3A_204 : vector<16xf32> to vector<16xf32>
      tpu.vector_store %arg14[%swap3A_207], %swap3A_210 {strides = array<i32>} : memref<35344xf32, #tpu.memory_space<vmem>>, vector<16xf32>,
      %add3A_211 = arith.constant 64 : i32
      %add3A_212 = arith.addi %add3A_167, %add3A_211 : i32
      %swap3A_213 = arith.index_cast %add3A_212 : i32 to index
      %swap3A_214 = tpu.vector_load %arg14[%swap3A_213] {strides = array<i32>} : memref<35344xf32, #tpu.memory_space<vmem>>, vector<16xf32>,
      %swap3A_215 = vector.shape_cast %swap3A_214 : vector<16xf32> to vector<16xf32>
      %swap3A_216 = vector.shape_cast %get3A_171 : vector<16xf32> to vector<16xf32>
      tpu.vector_store %arg14[%swap3A_213], %swap3A_216 {strides = array<i32>} : memref<35344xf32, #tpu.memory_space<vmem>>, vector<16xf32>,
      %broadcast_in_dim3A_217 = vector.shape_cast %and3A_68 : vector<16xi32> to vector<16x1xi32>
      %gather3A_218 = vector.shape_cast %broadcast_in_dim3A_217 : vector<16x1xi32> to vector<16xi32>
      %gather3A_219 = tpu.dynamic_gather %get3A_171[%gather3A_218] in [0] : vector<16xf32>, vector<16xi32> -> vector<16xf32>
      %swap3A_220 = arith.index_cast %add3A_163 : i32 to index
      %swap3A_221 = tpu.vector_load %arg12[%swap3A_220] {strides = array<i32>} : memref<1552xf32, #tpu.memory_space<vmem>>, vector<16xf32>,
      %swap3A_222 = vector.shape_cast %swap3A_221 : vector<16xf32> to vector<16xf32>
      %swap3A_223 = vector.shape_cast %gather3A_219 : vector<16xf32> to vector<16xf32>
      tpu.vector_store %arg12[%swap3A_220], %swap3A_223 {strides = array<i32>} : memref<1552xf32, #tpu.memory_space<vmem>>, vector<16xf32>,
      %broadcast_in_dim3A_224 = vector.shape_cast %and3A_80 : vector<16xi32> to vector<16x1xi32>
      %gather3A_225 = vector.shape_cast %broadcast_in_dim3A_224 : vector<16x1xi32> to vector<16xi32>
      %gather3A_226 = tpu.dynamic_gather %get3A_171[%gather3A_225] in [0] : vector<16xf32>, vector<16xi32> -> vector<16xf32>
      %swap3A_227 = arith.index_cast %add3A_163 : i32 to index
      %swap3A_228 = tpu.vector_load %arg13[%swap3A_227] {strides = array<i32>} : memref<1552xf32, #tpu.memory_space<vmem>>, vector<16xf32>,
      %swap3A_229 = vector.shape_cast %swap3A_228 : vector<16xf32> to vector<16xf32>
      %swap3A_230 = vector.shape_cast %gather3A_226 : vector<16xf32> to vector<16xf32>
      tpu.vector_store %arg13[%swap3A_227], %swap3A_230 {strides = array<i32>} : memref<1552xf32, #tpu.memory_space<vmem>>, vector<16xf32>,
    }
    %scan3A_99 = arith.constant 128 : i32
    %dma_start3A_100 = arith.constant 2 : i32
    %dma_start3A_101 = arith.constant 0 : i32
    %dma_start3A_102 = tpu.memref_slice %arg9[%dma_start3A_100, %dma_start3A_101] : memref<4x128xi32, #tpu.memory_space<vmem>> -> memref<1x128xi32, #tpu.memory_space<vmem>>
    %dma_start3A_103 = tpu.memref_squeeze %dma_start3A_102 : memref<1x128xi32, #tpu.memory_space<vmem>> -> memref<128xi32, #tpu.memory_space<vmem>>
    %dma_start3A_104 = arith.constant 0 : i32
    %dma_start3A_105 = arith.constant 0 : i32
    %dma_start3A_106 = tpu.memref_slice %arg4[%dma_start3A_104, %dma_start3A_105] : memref<100000x128xf32, #tpu.memory_space<hbm>> -> memref<100000x128xf32, #tpu.memory_space<hbm>>
    tpu.enqueue_indirect_dma source(%dma_start3A_106 : memref<100000x128xf32, #tpu.memory_space<hbm>>) target(%arg10 : memref<128x128xf32, #tpu.memory_space<vmem>>) offsets(%dma_start3A_103 : memref<128xi32, #tpu.memory_space<vmem>>) semaphore(%arg17 : memref<!tpu.dma_semaphore, #tpu.memory_space<semaphore_mem>>)
    %dma_wait3A_107 = arith.constant 1 : i32
    %dma_wait3A_108 = arith.constant 0 : i32
    %dma_wait3A_109 = tpu.memref_slice %arg9[%dma_wait3A_107, %dma_wait3A_108] : memref<4x128xi32, #tpu.memory_space<vmem>> -> memref<1x128xi32, #tpu.memory_space<vmem>>
    %dma_wait3A_110 = tpu.memref_squeeze %dma_wait3A_109 : memref<1x128xi32, #tpu.memory_space<vmem>> -> memref<128xi32, #tpu.memory_space<vmem>>
    %dma_wait3A_111 = arith.constant 0 : i32
    %dma_wait3A_112 = arith.constant 0 : i32
    %dma_wait3A_113 = tpu.memref_slice %arg4[%dma_wait3A_111, %dma_wait3A_112] : memref<100000x128xf32, #tpu.memory_space<hbm>> -> memref<100000x128xf32, #tpu.memory_space<hbm>>
    tpu.wait_indirect_dma semaphore(%arg18 : memref<!tpu.dma_semaphore, #tpu.memory_space<semaphore_mem>>) src(%dma_wait3A_113 : memref<100000x128xf32, #tpu.memory_space<hbm>>) dst(%arg11 : memref<128x128xf32, #tpu.memory_space<vmem>>)
    %scan3A_114 = arith.constant 0 : i32
    %scan3A_115 = arith.constant 0 : i32
    %scan3A_116 = arith.constant 128 : i32
    %scan3A_117 = arith.addi %scan3A_115, %scan3A_116 : i32
    %scan3A_118 = arith.constant 1 : i32
    scf.for %scan3A_159 = %scan3A_115 to %scan3A_117 step %scan3A_118  : i32 {
      %mul3A_160 = arith.constant 3 : i32
      %mul3A_161 = arith.muli %mul3A_160, %scan3A_159 : i32
      %add3A_162 = arith.constant 384 : i32
      %add3A_163 = arith.addi %add3A_162, %mul3A_161 : i32
      %mul3A_164 = arith.constant 69 : i32
      %mul3A_165 = arith.muli %mul3A_164, %scan3A_159 : i32
      %add3A_166 = arith.constant 8832 : i32
      %add3A_167 = arith.addi %add3A_166, %mul3A_165 : i32
      %get3A_168 = arith.index_cast %scan3A_159 : i32 to index
      %get3A_169 = arith.constant 64 : index
      %get3A_170 = tpu.vector_load %arg11[%get3A_168, %get3A_169] {strides = array<i32>} : memref<128x128xf32, #tpu.memory_space<vmem>>, vector<1x16xf32>,
      %get3A_171 = vector.shape_cast %get3A_170 : vector<1x16xf32> to vector<16xf32>
      %get3A_172 = arith.index_cast %scan3A_159 : i32 to index
      %get3A_173 = arith.constant 0 : index
      %get3A_174 = tpu.vector_load %arg11[%get3A_172, %get3A_173] {strides = array<i32>} : memref<128x128xf32, #tpu.memory_space<vmem>>, vector<1x16xf32>,
      %get3A_175 = vector.shape_cast %get3A_174 : vector<1x16xf32> to vector<16xf32>
      %add3A_176 = arith.constant 0 : i32
      %add3A_177 = arith.addi %add3A_167, %add3A_176 : i32
      %swap3A = arith.index_cast %add3A_177 : i32 to index
      %swap3A_178 = tpu.vector_load %arg14[%swap3A] {strides = array<i32>} : memref<35344xf32, #tpu.memory_space<vmem>>, vector<16xf32>,
      %swap3A_179 = vector.shape_cast %swap3A_178 : vector<16xf32> to vector<16xf32>
      %swap3A_180 = vector.shape_cast %get3A_175 : vector<16xf32> to vector<16xf32>
      tpu.vector_store %arg14[%swap3A], %swap3A_180 {strides = array<i32>} : memref<35344xf32, #tpu.memory_space<vmem>>, vector<16xf32>,
      %get3A_181 = arith.index_cast %scan3A_159 : i32 to index
      %get3A_182 = arith.constant 16 : index
      %get3A_183 = tpu.vector_load %arg11[%get3A_181, %get3A_182] {strides = array<i32>} : memref<128x128xf32, #tpu.memory_space<vmem>>, vector<1x16xf32>,
      %get3A_184 = vector.shape_cast %get3A_183 : vector<1x16xf32> to vector<16xf32>
      %add3A_185 = arith.constant 16 : i32
      %add3A_186 = arith.addi %add3A_167, %add3A_185 : i32
      %swap3A_187 = arith.index_cast %add3A_186 : i32 to index
      %swap3A_188 = tpu.vector_load %arg14[%swap3A_187] {strides = array<i32>} : memref<35344xf32, #tpu.memory_space<vmem>>, vector<16xf32>,
      %swap3A_189 = vector.shape_cast %swap3A_188 : vector<16xf32> to vector<16xf32>
      %swap3A_190 = vector.shape_cast %get3A_184 : vector<16xf32> to vector<16xf32>
      tpu.vector_store %arg14[%swap3A_187], %swap3A_190 {strides = array<i32>} : memref<35344xf32, #tpu.memory_space<vmem>>, vector<16xf32>,
      %get3A_191 = arith.index_cast %scan3A_159 : i32 to index
      %get3A_192 = arith.constant 32 : index
      %get3A_193 = tpu.vector_load %arg11[%get3A_191, %get3A_192] {strides = array<i32>} : memref<128x128xf32, #tpu.memory_space<vmem>>, vector<1x16xf32>,
      %get3A_194 = vector.shape_cast %get3A_193 : vector<1x16xf32> to vector<16xf32>
      %add3A_195 = arith.constant 32 : i32
      %add3A_196 = arith.addi %add3A_167, %add3A_195 : i32
      %swap3A_197 = arith.index_cast %add3A_196 : i32 to index
      %swap3A_198 = tpu.vector_load %arg14[%swap3A_197] {strides = array<i32>} : memref<35344xf32, #tpu.memory_space<vmem>>, vector<16xf32>,
      %swap3A_199 = vector.shape_cast %swap3A_198 : vector<16xf32> to vector<16xf32>
      %swap3A_200 = vector.shape_cast %get3A_194 : vector<16xf32> to vector<16xf32>
      tpu.vector_store %arg14[%swap3A_197], %swap3A_200 {strides = array<i32>} : memref<35344xf32, #tpu.memory_space<vmem>>, vector<16xf32>,
      %get3A_201 = arith.index_cast %scan3A_159 : i32 to index
      %get3A_202 = arith.constant 48 : index
      %get3A_203 = tpu.vector_load %arg11[%get3A_201, %get3A_202] {strides = array<i32>} : memref<128x128xf32, #tpu.memory_space<vmem>>, vector<1x16xf32>,
      %get3A_204 = vector.shape_cast %get3A_203 : vector<1x16xf32> to vector<16xf32>
      %add3A_205 = arith.constant 48 : i32
      %add3A_206 = arith.addi %add3A_167, %add3A_205 : i32
      %swap3A_207 = arith.index_cast %add3A_206 : i32 to index
      %swap3A_208 = tpu.vector_load %arg14[%swap3A_207] {strides = array<i32>} : memref<35344xf32, #tpu.memory_space<vmem>>, vector<16xf32>,
      %swap3A_209 = vector.shape_cast %swap3A_208 : vector<16xf32> to vector<16xf32>
      %swap3A_210 = vector.shape_cast %get3A_204 : vector<16xf32> to vector<16xf32>
      tpu.vector_store %arg14[%swap3A_207], %swap3A_210 {strides = array<i32>} : memref<35344xf32, #tpu.memory_space<vmem>>, vector<16xf32>,
      %add3A_211 = arith.constant 64 : i32
      %add3A_212 = arith.addi %add3A_167, %add3A_211 : i32
      %swap3A_213 = arith.index_cast %add3A_212 : i32 to index
      %swap3A_214 = tpu.vector_load %arg14[%swap3A_213] {strides = array<i32>} : memref<35344xf32, #tpu.memory_space<vmem>>, vector<16xf32>,
      %swap3A_215 = vector.shape_cast %swap3A_214 : vector<16xf32> to vector<16xf32>
      %swap3A_216 = vector.shape_cast %get3A_171 : vector<16xf32> to vector<16xf32>
      tpu.vector_store %arg14[%swap3A_213], %swap3A_216 {strides = array<i32>} : memref<35344xf32, #tpu.memory_space<vmem>>, vector<16xf32>,
      %broadcast_in_dim3A_217 = vector.shape_cast %and3A_68 : vector<16xi32> to vector<16x1xi32>
      %gather3A_218 = vector.shape_cast %broadcast_in_dim3A_217 : vector<16x1xi32> to vector<16xi32>
      %gather3A_219 = tpu.dynamic_gather %get3A_171[%gather3A_218] in [0] : vector<16xf32>, vector<16xi32> -> vector<16xf32>
      %swap3A_220 = arith.index_cast %add3A_163 : i32 to index
      %swap3A_221 = tpu.vector_load %arg12[%swap3A_220] {strides = array<i32>} : memref<1552xf32, #tpu.memory_space<vmem>>, vector<16xf32>,
      %swap3A_222 = vector.shape_cast %swap3A_221 : vector<16xf32> to vector<16xf32>
      %swap3A_223 = vector.shape_cast %gather3A_219 : vector<16xf32> to vector<16xf32>
      tpu.vector_store %arg12[%swap3A_220], %swap3A_223 {strides = array<i32>} : memref<1552xf32, #tpu.memory_space<vmem>>, vector<16xf32>,
      %broadcast_in_dim3A_224 = vector.shape_cast %and3A_80 : vector<16xi32> to vector<16x1xi32>
      %gather3A_225 = vector.shape_cast %broadcast_in_dim3A_224 : vector<16x1xi32> to vector<16xi32>
      %gather3A_226 = tpu.dynamic_gather %get3A_171[%gather3A_225] in [0] : vector<16xf32>, vector<16xi32> -> vector<16xf32>
      %swap3A_227 = arith.index_cast %add3A_163 : i32 to index
      %swap3A_228 = tpu.vector_load %arg13[%swap3A_227] {strides = array<i32>} : memref<1552xf32, #tpu.memory_space<vmem>>, vector<16xf32>,
      %swap3A_229 = vector.shape_cast %swap3A_228 : vector<16xf32> to vector<16xf32>
      %swap3A_230 = vector.shape_cast %gather3A_226 : vector<16xf32> to vector<16xf32>
      tpu.vector_store %arg13[%swap3A_227], %swap3A_230 {strides = array<i32>} : memref<1552xf32, #tpu.memory_space<vmem>>, vector<16xf32>,
    }
    %scan3A_119 = arith.constant 128 : i32
    %dma_start3A_120 = arith.constant 3 : i32
    %dma_start3A_121 = arith.constant 0 : i32
    %dma_start3A_122 = tpu.memref_slice %arg9[%dma_start3A_120, %dma_start3A_121] : memref<4x128xi32, #tpu.memory_space<vmem>> -> memref<1x128xi32, #tpu.memory_space<vmem>>
    %dma_start3A_123 = tpu.memref_squeeze %dma_start3A_122 : memref<1x128xi32, #tpu.memory_space<vmem>> -> memref<128xi32, #tpu.memory_space<vmem>>
    %dma_start3A_124 = arith.constant 0 : i32
    %dma_start3A_125 = arith.constant 0 : i32
    %dma_start3A_126 = tpu.memref_slice %arg4[%dma_start3A_124, %dma_start3A_125] : memref<100000x128xf32, #tpu.memory_space<hbm>> -> memref<100000x128xf32, #tpu.memory_space<hbm>>
    tpu.enqueue_indirect_dma source(%dma_start3A_126 : memref<100000x128xf32, #tpu.memory_space<hbm>>) target(%arg11 : memref<128x128xf32, #tpu.memory_space<vmem>>) offsets(%dma_start3A_123 : memref<128xi32, #tpu.memory_space<vmem>>) semaphore(%arg18 : memref<!tpu.dma_semaphore, #tpu.memory_space<semaphore_mem>>)
    %dma_wait3A_127 = arith.constant 2 : i32
    %dma_wait3A_128 = arith.constant 0 : i32
    %dma_wait3A_129 = tpu.memref_slice %arg9[%dma_wait3A_127, %dma_wait3A_128] : memref<4x128xi32, #tpu.memory_space<vmem>> -> memref<1x128xi32, #tpu.memory_space<vmem>>
    %dma_wait3A_130 = tpu.memref_squeeze %dma_wait3A_129 : memref<1x128xi32, #tpu.memory_space<vmem>> -> memref<128xi32, #tpu.memory_space<vmem>>
    %dma_wait3A_131 = arith.constant 0 : i32
    %dma_wait3A_132 = arith.constant 0 : i32
    %dma_wait3A_133 = tpu.memref_slice %arg4[%dma_wait3A_131, %dma_wait3A_132] : memref<100000x128xf32, #tpu.memory_space<hbm>> -> memref<100000x128xf32, #tpu.memory_space<hbm>>
    tpu.wait_indirect_dma semaphore(%arg17 : memref<!tpu.dma_semaphore, #tpu.memory_space<semaphore_mem>>) src(%dma_wait3A_133 : memref<100000x128xf32, #tpu.memory_space<hbm>>) dst(%arg10 : memref<128x128xf32, #tpu.memory_space<vmem>>)
    %scan3A_134 = arith.constant 0 : i32
    %scan3A_135 = arith.constant 0 : i32
    %scan3A_136 = arith.constant 128 : i32
    %scan3A_137 = arith.addi %scan3A_135, %scan3A_136 : i32
    %scan3A_138 = arith.constant 1 : i32
    scf.for %scan3A_159 = %scan3A_135 to %scan3A_137 step %scan3A_138  : i32 {
      %mul3A_160 = arith.constant 3 : i32
      %mul3A_161 = arith.muli %mul3A_160, %scan3A_159 : i32
      %add3A_162 = arith.constant 768 : i32
      %add3A_163 = arith.addi %add3A_162, %mul3A_161 : i32
      %mul3A_164 = arith.constant 69 : i32
      %mul3A_165 = arith.muli %mul3A_164, %scan3A_159 : i32
      %add3A_166 = arith.constant 17664 : i32
      %add3A_167 = arith.addi %add3A_166, %mul3A_165 : i32
      %get3A_168 = arith.index_cast %scan3A_159 : i32 to index
      %get3A_169 = arith.constant 64 : index
      %get3A_170 = tpu.vector_load %arg10[%get3A_168, %get3A_169] {strides = array<i32>} : memref<128x128xf32, #tpu.memory_space<vmem>>, vector<1x16xf32>,
      %get3A_171 = vector.shape_cast %get3A_170 : vector<1x16xf32> to vector<16xf32>
      %get3A_172 = arith.index_cast %scan3A_159 : i32 to index
      %get3A_173 = arith.constant 0 : index
      %get3A_174 = tpu.vector_load %arg10[%get3A_172, %get3A_173] {strides = array<i32>} : memref<128x128xf32, #tpu.memory_space<vmem>>, vector<1x16xf32>,
      %get3A_175 = vector.shape_cast %get3A_174 : vector<1x16xf32> to vector<16xf32>
      %add3A_176 = arith.constant 0 : i32
      %add3A_177 = arith.addi %add3A_167, %add3A_176 : i32
      %swap3A = arith.index_cast %add3A_177 : i32 to index
      %swap3A_178 = tpu.vector_load %arg14[%swap3A] {strides = array<i32>} : memref<35344xf32, #tpu.memory_space<vmem>>, vector<16xf32>,
      %swap3A_179 = vector.shape_cast %swap3A_178 : vector<16xf32> to vector<16xf32>
      %swap3A_180 = vector.shape_cast %get3A_175 : vector<16xf32> to vector<16xf32>
      tpu.vector_store %arg14[%swap3A], %swap3A_180 {strides = array<i32>} : memref<35344xf32, #tpu.memory_space<vmem>>, vector<16xf32>,
      %get3A_181 = arith.index_cast %scan3A_159 : i32 to index
      %get3A_182 = arith.constant 16 : index
      %get3A_183 = tpu.vector_load %arg10[%get3A_181, %get3A_182] {strides = array<i32>} : memref<128x128xf32, #tpu.memory_space<vmem>>, vector<1x16xf32>,
      %get3A_184 = vector.shape_cast %get3A_183 : vector<1x16xf32> to vector<16xf32>
      %add3A_185 = arith.constant 16 : i32
      %add3A_186 = arith.addi %add3A_167, %add3A_185 : i32
      %swap3A_187 = arith.index_cast %add3A_186 : i32 to index
      %swap3A_188 = tpu.vector_load %arg14[%swap3A_187] {strides = array<i32>} : memref<35344xf32, #tpu.memory_space<vmem>>, vector<16xf32>,
      %swap3A_189 = vector.shape_cast %swap3A_188 : vector<16xf32> to vector<16xf32>
      %swap3A_190 = vector.shape_cast %get3A_184 : vector<16xf32> to vector<16xf32>
      tpu.vector_store %arg14[%swap3A_187], %swap3A_190 {strides = array<i32>} : memref<35344xf32, #tpu.memory_space<vmem>>, vector<16xf32>,
      %get3A_191 = arith.index_cast %scan3A_159 : i32 to index
      %get3A_192 = arith.constant 32 : index
      %get3A_193 = tpu.vector_load %arg10[%get3A_191, %get3A_192] {strides = array<i32>} : memref<128x128xf32, #tpu.memory_space<vmem>>, vector<1x16xf32>,
      %get3A_194 = vector.shape_cast %get3A_193 : vector<1x16xf32> to vector<16xf32>
      %add3A_195 = arith.constant 32 : i32
      %add3A_196 = arith.addi %add3A_167, %add3A_195 : i32
      %swap3A_197 = arith.index_cast %add3A_196 : i32 to index
      %swap3A_198 = tpu.vector_load %arg14[%swap3A_197] {strides = array<i32>} : memref<35344xf32, #tpu.memory_space<vmem>>, vector<16xf32>,
      %swap3A_199 = vector.shape_cast %swap3A_198 : vector<16xf32> to vector<16xf32>
      %swap3A_200 = vector.shape_cast %get3A_194 : vector<16xf32> to vector<16xf32>
      tpu.vector_store %arg14[%swap3A_197], %swap3A_200 {strides = array<i32>} : memref<35344xf32, #tpu.memory_space<vmem>>, vector<16xf32>,
      %get3A_201 = arith.index_cast %scan3A_159 : i32 to index
      %get3A_202 = arith.constant 48 : index
      %get3A_203 = tpu.vector_load %arg10[%get3A_201, %get3A_202] {strides = array<i32>} : memref<128x128xf32, #tpu.memory_space<vmem>>, vector<1x16xf32>,
      %get3A_204 = vector.shape_cast %get3A_203 : vector<1x16xf32> to vector<16xf32>
      %add3A_205 = arith.constant 48 : i32
      %add3A_206 = arith.addi %add3A_167, %add3A_205 : i32
      %swap3A_207 = arith.index_cast %add3A_206 : i32 to index
      %swap3A_208 = tpu.vector_load %arg14[%swap3A_207] {strides = array<i32>} : memref<35344xf32, #tpu.memory_space<vmem>>, vector<16xf32>,
      %swap3A_209 = vector.shape_cast %swap3A_208 : vector<16xf32> to vector<16xf32>
      %swap3A_210 = vector.shape_cast %get3A_204 : vector<16xf32> to vector<16xf32>
      tpu.vector_store %arg14[%swap3A_207], %swap3A_210 {strides = array<i32>} : memref<35344xf32, #tpu.memory_space<vmem>>, vector<16xf32>,
      %add3A_211 = arith.constant 64 : i32
      %add3A_212 = arith.addi %add3A_167, %add3A_211 : i32
      %swap3A_213 = arith.index_cast %add3A_212 : i32 to index
      %swap3A_214 = tpu.vector_load %arg14[%swap3A_213] {strides = array<i32>} : memref<35344xf32, #tpu.memory_space<vmem>>, vector<16xf32>,
      %swap3A_215 = vector.shape_cast %swap3A_214 : vector<16xf32> to vector<16xf32>
      %swap3A_216 = vector.shape_cast %get3A_171 : vector<16xf32> to vector<16xf32>
      tpu.vector_store %arg14[%swap3A_213], %swap3A_216 {strides = array<i32>} : memref<35344xf32, #tpu.memory_space<vmem>>, vector<16xf32>,
      %broadcast_in_dim3A_217 = vector.shape_cast %and3A_68 : vector<16xi32> to vector<16x1xi32>
      %gather3A_218 = vector.shape_cast %broadcast_in_dim3A_217 : vector<16x1xi32> to vector<16xi32>
      %gather3A_219 = tpu.dynamic_gather %get3A_171[%gather3A_218] in [0] : vector<16xf32>, vector<16xi32> -> vector<16xf32>
      %swap3A_220 = arith.index_cast %add3A_163 : i32 to index
      %swap3A_221 = tpu.vector_load %arg12[%swap3A_220] {strides = array<i32>} : memref<1552xf32, #tpu.memory_space<vmem>>, vector<16xf32>,
      %swap3A_222 = vector.shape_cast %swap3A_221 : vector<16xf32> to vector<16xf32>
      %swap3A_223 = vector.shape_cast %gather3A_219 : vector<16xf32> to vector<16xf32>
      tpu.vector_store %arg12[%swap3A_220], %swap3A_223 {strides = array<i32>} : memref<1552xf32, #tpu.memory_space<vmem>>, vector<16xf32>,
      %broadcast_in_dim3A_224 = vector.shape_cast %and3A_80 : vector<16xi32> to vector<16x1xi32>
      %gather3A_225 = vector.shape_cast %broadcast_in_dim3A_224 : vector<16x1xi32> to vector<16xi32>
      %gather3A_226 = tpu.dynamic_gather %get3A_171[%gather3A_225] in [0] : vector<16xf32>, vector<16xi32> -> vector<16xf32>
      %swap3A_227 = arith.index_cast %add3A_163 : i32 to index
      %swap3A_228 = tpu.vector_load %arg13[%swap3A_227] {strides = array<i32>} : memref<1552xf32, #tpu.memory_space<vmem>>, vector<16xf32>,
      %swap3A_229 = vector.shape_cast %swap3A_228 : vector<16xf32> to vector<16xf32>
      %swap3A_230 = vector.shape_cast %gather3A_226 : vector<16xf32> to vector<16xf32>
      tpu.vector_store %arg13[%swap3A_227], %swap3A_230 {strides = array<i32>} : memref<1552xf32, #tpu.memory_space<vmem>>, vector<16xf32>,
    }
    %scan3A_139 = arith.constant 128 : i32
    %dma_wait3A_140 = arith.constant 3 : i32
    %dma_wait3A_141 = arith.constant 0 : i32
    %dma_wait3A_142 = tpu.memref_slice %arg9[%dma_wait3A_140, %dma_wait3A_141] : memref<4x128xi32, #tpu.memory_space<vmem>> -> memref<1x128xi32, #tpu.memory_space<vmem>>
    %dma_wait3A_143 = tpu.memref_squeeze %dma_wait3A_142 : memref<1x128xi32, #tpu.memory_space<vmem>> -> memref<128xi32, #tpu.memory_space<vmem>>
    %dma_wait3A_144 = arith.constant 0 : i32
    %dma_wait3A_145 = arith.constant 0 : i32
    %dma_wait3A_146 = tpu.memref_slice %arg4[%dma_wait3A_144, %dma_wait3A_145] : memref<100000x128xf32, #tpu.memory_space<hbm>> -> memref<100000x128xf32, #tpu.memory_space<hbm>>
    tpu.wait_indirect_dma semaphore(%arg18 : memref<!tpu.dma_semaphore, #tpu.memory_space<semaphore_mem>>) src(%dma_wait3A_146 : memref<100000x128xf32, #tpu.memory_space<hbm>>) dst(%arg11 : memref<128x128xf32, #tpu.memory_space<vmem>>)
    %scan3A_147 = arith.constant 0 : i32
    %scan3A_148 = arith.constant 0 : i32
    %scan3A_149 = arith.constant 128 : i32
    %scan3A_150 = arith.addi %scan3A_148, %scan3A_149 : i32
    %scan3A_151 = arith.constant 1 : i32
    scf.for %scan3A_159 = %scan3A_148 to %scan3A_150 step %scan3A_151  : i32 {
      %mul3A_160 = arith.constant 3 : i32
      %mul3A_161 = arith.muli %mul3A_160, %scan3A_159 : i32
      %add3A_162 = arith.constant 1152 : i32
      %add3A_163 = arith.addi %add3A_162, %mul3A_161 : i32
      %mul3A_164 = arith.constant 69 : i32
      %mul3A_165 = arith.muli %mul3A_164, %scan3A_159 : i32
      %add3A_166 = arith.constant 26496 : i32
      %add3A_167 = arith.addi %add3A_166, %mul3A_165 : i32
      %get3A_168 = arith.index_cast %scan3A_159 : i32 to index
      %get3A_169 = arith.constant 64 : index
      %get3A_170 = tpu.vector_load %arg11[%get3A_168, %get3A_169] {strides = array<i32>} : memref<128x128xf32, #tpu.memory_space<vmem>>, vector<1x16xf32>,
      %get3A_171 = vector.shape_cast %get3A_170 : vector<1x16xf32> to vector<16xf32>
      %get3A_172 = arith.index_cast %scan3A_159 : i32 to index
      %get3A_173 = arith.constant 0 : index
      %get3A_174 = tpu.vector_load %arg11[%get3A_172, %get3A_173] {strides = array<i32>} : memref<128x128xf32, #tpu.memory_space<vmem>>, vector<1x16xf32>,
      %get3A_175 = vector.shape_cast %get3A_174 : vector<1x16xf32> to vector<16xf32>
      %add3A_176 = arith.constant 0 : i32
      %add3A_177 = arith.addi %add3A_167, %add3A_176 : i32
      %swap3A = arith.index_cast %add3A_177 : i32 to index
      %swap3A_178 = tpu.vector_load %arg14[%swap3A] {strides = array<i32>} : memref<35344xf32, #tpu.memory_space<vmem>>, vector<16xf32>,
      %swap3A_179 = vector.shape_cast %swap3A_178 : vector<16xf32> to vector<16xf32>
      %swap3A_180 = vector.shape_cast %get3A_175 : vector<16xf32> to vector<16xf32>
      tpu.vector_store %arg14[%swap3A], %swap3A_180 {strides = array<i32>} : memref<35344xf32, #tpu.memory_space<vmem>>, vector<16xf32>,
      %get3A_181 = arith.index_cast %scan3A_159 : i32 to index
      %get3A_182 = arith.constant 16 : index
      %get3A_183 = tpu.vector_load %arg11[%get3A_181, %get3A_182] {strides = array<i32>} : memref<128x128xf32, #tpu.memory_space<vmem>>, vector<1x16xf32>,
      %get3A_184 = vector.shape_cast %get3A_183 : vector<1x16xf32> to vector<16xf32>
      %add3A_185 = arith.constant 16 : i32
      %add3A_186 = arith.addi %add3A_167, %add3A_185 : i32
      %swap3A_187 = arith.index_cast %add3A_186 : i32 to index
      %swap3A_188 = tpu.vector_load %arg14[%swap3A_187] {strides = array<i32>} : memref<35344xf32, #tpu.memory_space<vmem>>, vector<16xf32>,
      %swap3A_189 = vector.shape_cast %swap3A_188 : vector<16xf32> to vector<16xf32>
      %swap3A_190 = vector.shape_cast %get3A_184 : vector<16xf32> to vector<16xf32>
      tpu.vector_store %arg14[%swap3A_187], %swap3A_190 {strides = array<i32>} : memref<35344xf32, #tpu.memory_space<vmem>>, vector<16xf32>,
      %get3A_191 = arith.index_cast %scan3A_159 : i32 to index
      %get3A_192 = arith.constant 32 : index
      %get3A_193 = tpu.vector_load %arg11[%get3A_191, %get3A_192] {strides = array<i32>} : memref<128x128xf32, #tpu.memory_space<vmem>>, vector<1x16xf32>,
      %get3A_194 = vector.shape_cast %get3A_193 : vector<1x16xf32> to vector<16xf32>
      %add3A_195 = arith.constant 32 : i32
      %add3A_196 = arith.addi %add3A_167, %add3A_195 : i32
      %swap3A_197 = arith.index_cast %add3A_196 : i32 to index
      %swap3A_198 = tpu.vector_load %arg14[%swap3A_197] {strides = array<i32>} : memref<35344xf32, #tpu.memory_space<vmem>>, vector<16xf32>,
      %swap3A_199 = vector.shape_cast %swap3A_198 : vector<16xf32> to vector<16xf32>
      %swap3A_200 = vector.shape_cast %get3A_194 : vector<16xf32> to vector<16xf32>
      tpu.vector_store %arg14[%swap3A_197], %swap3A_200 {strides = array<i32>} : memref<35344xf32, #tpu.memory_space<vmem>>, vector<16xf32>,
      %get3A_201 = arith.index_cast %scan3A_159 : i32 to index
      %get3A_202 = arith.constant 48 : index
      %get3A_203 = tpu.vector_load %arg11[%get3A_201, %get3A_202] {strides = array<i32>} : memref<128x128xf32, #tpu.memory_space<vmem>>, vector<1x16xf32>,
      %get3A_204 = vector.shape_cast %get3A_203 : vector<1x16xf32> to vector<16xf32>
      %add3A_205 = arith.constant 48 : i32
      %add3A_206 = arith.addi %add3A_167, %add3A_205 : i32
      %swap3A_207 = arith.index_cast %add3A_206 : i32 to index
      %swap3A_208 = tpu.vector_load %arg14[%swap3A_207] {strides = array<i32>} : memref<35344xf32, #tpu.memory_space<vmem>>, vector<16xf32>,
      %swap3A_209 = vector.shape_cast %swap3A_208 : vector<16xf32> to vector<16xf32>
      %swap3A_210 = vector.shape_cast %get3A_204 : vector<16xf32> to vector<16xf32>
      tpu.vector_store %arg14[%swap3A_207], %swap3A_210 {strides = array<i32>} : memref<35344xf32, #tpu.memory_space<vmem>>, vector<16xf32>,
      %add3A_211 = arith.constant 64 : i32
      %add3A_212 = arith.addi %add3A_167, %add3A_211 : i32
      %swap3A_213 = arith.index_cast %add3A_212 : i32 to index
      %swap3A_214 = tpu.vector_load %arg14[%swap3A_213] {strides = array<i32>} : memref<35344xf32, #tpu.memory_space<vmem>>, vector<16xf32>,
      %swap3A_215 = vector.shape_cast %swap3A_214 : vector<16xf32> to vector<16xf32>
      %swap3A_216 = vector.shape_cast %get3A_171 : vector<16xf32> to vector<16xf32>
      tpu.vector_store %arg14[%swap3A_213], %swap3A_216 {strides = array<i32>} : memref<35344xf32, #tpu.memory_space<vmem>>, vector<16xf32>,
      %broadcast_in_dim3A_217 = vector.shape_cast %and3A_68 : vector<16xi32> to vector<16x1xi32>
      %gather3A_218 = vector.shape_cast %broadcast_in_dim3A_217 : vector<16x1xi32> to vector<16xi32>
      %gather3A_219 = tpu.dynamic_gather %get3A_171[%gather3A_218] in [0] : vector<16xf32>, vector<16xi32> -> vector<16xf32>
      %swap3A_220 = arith.index_cast %add3A_163 : i32 to index
      %swap3A_221 = tpu.vector_load %arg12[%swap3A_220] {strides = array<i32>} : memref<1552xf32, #tpu.memory_space<vmem>>, vector<16xf32>,
      %swap3A_222 = vector.shape_cast %swap3A_221 : vector<16xf32> to vector<16xf32>
      %swap3A_223 = vector.shape_cast %gather3A_219 : vector<16xf32> to vector<16xf32>
      tpu.vector_store %arg12[%swap3A_220], %swap3A_223 {strides = array<i32>} : memref<1552xf32, #tpu.memory_space<vmem>>, vector<16xf32>,
      %broadcast_in_dim3A_224 = vector.shape_cast %and3A_80 : vector<16xi32> to vector<16x1xi32>
      %gather3A_225 = vector.shape_cast %broadcast_in_dim3A_224 : vector<16x1xi32> to vector<16xi32>
      %gather3A_226 = tpu.dynamic_gather %get3A_171[%gather3A_225] in [0] : vector<16xf32>, vector<16xi32> -> vector<16xf32>
      %swap3A_227 = arith.index_cast %add3A_163 : i32 to index
      %swap3A_228 = tpu.vector_load %arg13[%swap3A_227] {strides = array<i32>} : memref<1552xf32, #tpu.memory_space<vmem>>, vector<16xf32>,
      %swap3A_229 = vector.shape_cast %swap3A_228 : vector<16xf32> to vector<16xf32>
      %swap3A_230 = vector.shape_cast %gather3A_226 : vector<16xf32> to vector<16xf32>
      tpu.vector_store %arg13[%swap3A_227], %swap3A_230 {strides = array<i32>} : memref<1552xf32, #tpu.memory_space<vmem>>, vector<16xf32>,
    }
    %scan3A_152 = arith.constant 128 : i32
    %mul3A_153 = arith.constant 1536 : i32
    %mul3A_154 = arith.muli %add3A, %mul3A_153 : i32
    "tpu.region"() ({
      %run_scoped3A = tpu.sem_alloc : memref<!tpu.dma_semaphore, #tpu.memory_space<semaphore_mem>>
      %dma_start3A_159 = arith.constant 0 : i32
      %dma_start3A_160 = tpu.memref_slice %arg12[%dma_start3A_159] : memref<1552xf32, #tpu.memory_space<vmem>> -> memref<1536xf32, #tpu.memory_space<vmem>>
      %dma_start3A_161 = tpu.memref_slice %arg6[%mul3A_154] : memref<49152xf32, #tpu.memory_space<hbm>> -> memref<1536xf32, #tpu.memory_space<hbm>>
      %dma_start3A_162 = tpu.memref_slice %arg6[%mul3A_154] : memref<49152xf32, #tpu.memory_space<hbm>> -> memref<1536xf32, #tpu.memory_space<hbm>>
      %dma_start3A_163 = arith.constant 0 : i32
      %dma_start3A_164 = tpu.memref_slice %arg12[%dma_start3A_163] : memref<1552xf32, #tpu.memory_space<vmem>> -> memref<1536xf32, #tpu.memory_space<vmem>>
      tpu.enqueue_dma source(%dma_start3A_164 : memref<1536xf32, #tpu.memory_space<vmem>>) target(%dma_start3A_162 : memref<1536xf32, #tpu.memory_space<hbm>>) target_semaphore(%run_scoped3A : memref<!tpu.dma_semaphore, #tpu.memory_space<semaphore_mem>>)
      %dma_wait3A_165 = arith.constant 0 : i32
      %dma_wait3A_166 = tpu.memref_slice %arg12[%dma_wait3A_165] : memref<1552xf32, #tpu.memory_space<vmem>> -> memref<1536xf32, #tpu.memory_space<vmem>>
      %dma_wait3A_167 = tpu.memref_slice %arg6[%mul3A_154] : memref<49152xf32, #tpu.memory_space<hbm>> -> memref<1536xf32, #tpu.memory_space<hbm>>
      %dma_wait3A_168 = tpu.memref_slice %arg6[%mul3A_154] : memref<49152xf32, #tpu.memory_space<hbm>> -> memref<1536xf32, #tpu.memory_space<hbm>>
      %dma_wait3A_169 = arith.constant 0 : i32
      %dma_wait3A_170 = tpu.memref_slice %arg12[%dma_wait3A_169] : memref<1552xf32, #tpu.memory_space<vmem>> -> memref<1536xf32, #tpu.memory_space<vmem>>
      tpu.wait_dma2 semaphore(%run_scoped3A : memref<!tpu.dma_semaphore, #tpu.memory_space<semaphore_mem>>) src(%dma_wait3A_170 : memref<1536xf32, #tpu.memory_space<vmem>>) dst(%dma_wait3A_168 : memref<1536xf32, #tpu.memory_space<hbm>>)
      tpu.yield
    }) : () -> ()
    %mul3A_155 = arith.constant 1536 : i32
    %mul3A_156 = arith.muli %add3A, %mul3A_155 : i32
    "tpu.region"() ({
      %run_scoped3A = tpu.sem_alloc : memref<!tpu.dma_semaphore, #tpu.memory_space<semaphore_mem>>
      %dma_start3A_159 = arith.constant 0 : i32
      %dma_start3A_160 = tpu.memref_slice %arg13[%dma_start3A_159] : memref<1552xf32, #tpu.memory_space<vmem>> -> memref<1536xf32, #tpu.memory_space<vmem>>
      %dma_start3A_161 = tpu.memref_slice %arg7[%mul3A_156] : memref<49152xf32, #tpu.memory_space<hbm>> -> memref<1536xf32, #tpu.memory_space<hbm>>
      %dma_start3A_162 = tpu.memref_slice %arg7[%mul3A_156] : memref<49152xf32, #tpu.memory_space<hbm>> -> memref<1536xf32, #tpu.memory_space<hbm>>
      %dma_start3A_163 = arith.constant 0 : i32
      %dma_start3A_164 = tpu.memref_slice %arg13[%dma_start3A_163] : memref<1552xf32, #tpu.memory_space<vmem>> -> memref<1536xf32, #tpu.memory_space<vmem>>
      tpu.enqueue_dma source(%dma_start3A_164 : memref<1536xf32, #tpu.memory_space<vmem>>) target(%dma_start3A_162 : memref<1536xf32, #tpu.memory_space<hbm>>) target_semaphore(%run_scoped3A : memref<!tpu.dma_semaphore, #tpu.memory_space<semaphore_mem>>)
      %dma_wait3A_165 = arith.constant 0 : i32
      %dma_wait3A_166 = tpu.memref_slice %arg13[%dma_wait3A_165] : memref<1552xf32, #tpu.memory_space<vmem>> -> memref<1536xf32, #tpu.memory_space<vmem>>
      %dma_wait3A_167 = tpu.memref_slice %arg7[%mul3A_156] : memref<49152xf32, #tpu.memory_space<hbm>> -> memref<1536xf32, #tpu.memory_space<hbm>>
      %dma_wait3A_168 = tpu.memref_slice %arg7[%mul3A_156] : memref<49152xf32, #tpu.memory_space<hbm>> -> memref<1536xf32, #tpu.memory_space<hbm>>
      %dma_wait3A_169 = arith.constant 0 : i32
      %dma_wait3A_170 = tpu.memref_slice %arg13[%dma_wait3A_169] : memref<1552xf32, #tpu.memory_space<vmem>> -> memref<1536xf32, #tpu.memory_space<vmem>>
      tpu.wait_dma2 semaphore(%run_scoped3A : memref<!tpu.dma_semaphore, #tpu.memory_space<semaphore_mem>>) src(%dma_wait3A_170 : memref<1536xf32, #tpu.memory_space<vmem>>) dst(%dma_wait3A_168 : memref<1536xf32, #tpu.memory_space<hbm>>)
      tpu.yield
    }) : () -> ()
    %mul3A_157 = arith.constant 35328 : i32
    %mul3A_158 = arith.muli %add3A, %mul3A_157 : i32
    "tpu.region"() ({
      %run_scoped3A = tpu.sem_alloc : memref<!tpu.dma_semaphore, #tpu.memory_space<semaphore_mem>>
      %dma_start3A_159 = arith.constant 0 : i32
      %dma_start3A_160 = tpu.memref_slice %arg14[%dma_start3A_159] : memref<35344xf32, #tpu.memory_space<vmem>> -> memref<35328xf32, #tpu.memory_space<vmem>>
      %dma_start3A_161 = tpu.memref_slice %arg8[%mul3A_158] : memref<1130496xf32, #tpu.memory_space<hbm>> -> memref<35328xf32, #tpu.memory_space<hbm>>
      %dma_start3A_162 = tpu.memref_slice %arg8[%mul3A_158] : memref<1130496xf32, #tpu.memory_space<hbm>> -> memref<35328xf32, #tpu.memory_space<hbm>>
      %dma_start3A_163 = arith.constant 0 : i32
      %dma_start3A_164 = tpu.memref_slice %arg14[%dma_start3A_163] : memref<35344xf32, #tpu.memory_space<vmem>> -> memref<35328xf32, #tpu.memory_space<vmem>>
      tpu.enqueue_dma source(%dma_start3A_164 : memref<35328xf32, #tpu.memory_space<vmem>>) target(%dma_start3A_162 : memref<35328xf32, #tpu.memory_space<hbm>>) target_semaphore(%run_scoped3A : memref<!tpu.dma_semaphore, #tpu.memory_space<semaphore_mem>>)
      %dma_wait3A_165 = arith.constant 0 : i32
      %dma_wait3A_166 = tpu.memref_slice %arg14[%dma_wait3A_165] : memref<35344xf32, #tpu.memory_space<vmem>> -> memref<35328xf32, #tpu.memory_space<vmem>>
      %dma_wait3A_167 = tpu.memref_slice %arg8[%mul3A_158] : memref<1130496xf32, #tpu.memory_space<hbm>> -> memref<35328xf32, #tpu.memory_space<hbm>>
      %dma_wait3A_168 = tpu.memref_slice %arg8[%mul3A_158] : memref<1130496xf32, #tpu.memory_space<hbm>> -> memref<35328xf32, #tpu.memory_space<hbm>>
      %dma_wait3A_169 = arith.constant 0 : i32
      %dma_wait3A_170 = tpu.memref_slice %arg14[%dma_wait3A_169] : memref<35344xf32, #tpu.memory_space<vmem>> -> memref<35328xf32, #tpu.memory_space<vmem>>
      tpu.wait_dma2 semaphore(%run_scoped3A : memref<!tpu.dma_semaphore, #tpu.memory_space<semaphore_mem>>) src(%dma_wait3A_170 : memref<35328xf32, #tpu.memory_space<vmem>>) dst(%dma_wait3A_168 : memref<35328xf32, #tpu.memory_space<hbm>>)
      tpu.yield
    }) : () -> ()
    return
  }
}

</mosaic_0001>

<sc_bundles>
// kernel: _run.3.cloned.1.call-start
scs
__scs_entry_jumppad:
0x0: {  	(pc) =	sbr.rel $0x88, $3  }
0x1: {  	(tag) =	ssettag $0x0;
	lr =	simm.s32 $0x1  }
0x2: {  	[smem:$0x3F9E] =	sst lr;
	_ =	strace $0xD0000000  }
0x3: {  	_ = 	snop  }
0x4: {  	_ = 	snop  }
0x5: {  	_ = 	snop  }
0x6: {  	_ = 	snop  }
0x7: {  	_ = 	snop  }
__scs_overlays_trampoline_lowered:
0x8: {  	[smem:$0x3FAD] =	sst s0  }
0x9: {  	[smem:$0x3FAE] =	sst s1  }
0xa: {  	[smem:$0x3FAF] =	sst s2  }
0xb: {  	[smem:$0x3FB0] =	sst s3  }
0xc: {  	[smem:$0x3FB1] =	sst s4  }
0xd: {  	[smem:$0x3FB2] =	sst s5  }
0xe: {  	[smem:$0x3FB3] =	sst s6  }
0xf: {  	[smem:$0x3FB4] =	sst s7  }
0x10: {  	[smem:$0x3FB5] =	sst s8  }
0x11: {  	[smem:$0x3FB6] =	sst s9;
	s0 =	simm.s32 @!p0 $0x0  }
0x12: {  	s1 =	sld [smem:$0x3F9C];
	s0 =	simm.s32 @p0 $0x1  }
0x13: {  	[smem:$0x3FB7] =	sst s0;
	s0 =	simm.s32 @!p1 $0x0  }
0x14: {  	s2 =	sld [smem:$0x3F9B];
	s0 =	simm.s32 @p1 $0x1  }
0x15: {  	[smem:$0x3FB8] =	sst s0;
	s0 =	simm.s32 @!p2 $0x0  }
0x16: {  	s3 =	sld [smem:$0x3FDB];
	s0 =	simm.s32 @p2 $0x1  }
0x17: {  	s4 =	simm.s32 $0x1BF5;
	[smem:$0x3FBA] =	sst s0  }
0x18: {  	s0 =	sld [smem:$0x3F9D];
	_ =	swait.ge [sflag:s4], $0x0  }
0x19: {  	s7 =	sld [smem:$0x3F9E]  }
0x1a: {  	s8 =	sadd.s32 $0xFFFFE003, lr  }
0x1b: {  	s9 =	sadd.s32 $0xFFFFFEF7, lr;
	s5 =	simm.s32 $0xFFFFFFFF;
	p2 =	slt.u32 s8, $0xFFFFF086  }
0x1c: {  	p1 =	slt.u32 s9, $0xF7A;
	s5 =	simm.s32 @!p2 $0x0  }
0x1d: {  	s5 =	simm.s32 @p1 $0x1;
	p0 =	seq.s32 s7, s2  }
0x1e: {  	s7 =	smul.u32 @!p0 $0xF7A, s2;
	p2 =	seq.s32 @!p0 s5, $0x0  }
0x1f: {  	s9 =	smul.u32 $0xF7A, s1;
	s8 =	simm.s32 @!p0 $0x1BF5;
	p2 =	por !p2, p0  }
0x20: {  	[sflag:s8] =	ssyncset.s32 @!p0 $0xFFFFF086;
	s6 =	sadd.s32 @!p0 s3, s7;
	s7 =	simm.s32 @!p0 $0x108  }
0x21: {  	s3 =	sadd.s32 s3, s9;
	s6 =	sadd.s32 @!p0 $0x88, s6;
	s7 =	simm.s32 @p2 $0x1082  }
0x22: {  	[simem:s7], [sflag:s8] =	dma.local @!p0 [hbm:s6], $0xF7A  }
0x23: {  	s9 =	sor.u32 $0xD0000000, s2;
	s6 =	simm.s32 $0x108;
	_ =	swait.ge @!p0 [sflag:s8], $0x0  }
0x24: {  	s3 =	sadd.s32 $0x88, s3;
	s6 =	simm.s32 @!p1 $0x1082;
	[sflag:s4] =	ssyncset.s32 $0xFFFFF086  }
0x25: {  	[simem:s6], [sflag:s4] =	dma.local [hbm:s3], $0xF7A  }
0x26: {  	[smem:$0x3F9E] =	sst s1;
	(tag) =	ssettag s2;
	_ =	strace s9  }
0x27: {  	s1 =	sld [smem:$0x3FAE]  }
0x28: {  	s2 =	sld [smem:$0x3FAF]  }
0x29: {  	s4 =	sld [smem:$0x3FB1]  }
0x2a: {  	p0 =	seq.s32 s5, $0x0;
	s5 =	sld [smem:$0x3FB2]  }
0x2b: {  	s6 =	sld [smem:$0x3FB3]  }
0x2c: {  	s7 =	sld [smem:$0x3FB4]  }
0x2d: {  	s3 =	simm.s32 $0x108;
	s8 =	sld [smem:$0x3FB5]  }
0x2e: {  	s3 =	simm.s32 @!p0 $0x1082;
	s9 =	sld [smem:$0x3FB6]  }
0x2f: {  	lr =	sadd.s32 s0, s3;
	s0 =	sld [smem:$0x3FAD]  }
0x30: {  	s3 =	sld [smem:$0x3FB0]  }
0x31: {  	[smem:$0x3FB9] =	sst s10  }
0x32: {  	s10 =	sld [smem:$0x3FB7];
	_ =	sdelay $0x3  }
0x33: {  	p0 =	seq.s32 s10, $0x1;
	s10 =	sld [smem:$0x3FB9];
	_ =	sdelay $0x3  }
0x34: {  	[smem:$0x3FB9] =	sst s10  }
0x35: {  	s10 =	sld [smem:$0x3FB8];
	_ =	sdelay $0x3  }
0x36: {  	p1 =	seq.s32 s10, $0x1;
	s10 =	sld [smem:$0x3FB9];
	_ =	sdelay $0x3  }
0x37: {  	[smem:$0x3FB9] =	sst s10  }
0x38: {  	s10 =	sld [smem:$0x3FBA]  }
0x39: {  	_ = 	snop;
	(pc) =	sbr.ind lr, $3  }
0x3a: {  	_ = 	snop  }
0x3b: {  	_ = 	snop  }
0x3c: {  	p2 =	seq.s32 s10, $0x1;
	s10 =	sld [smem:$0x3FB9]  }
0x3d: {  	_ =	shalt  }
0x3e: {  	_ =	shalt  }
0x3f: {  	_ =	shalt  }
0x40: {  	_ =	shalt  }
0x41: {  	_ =	shalt  }
0x42: {  	_ =	shalt  }
0x43: {  	_ =	shalt  }
0x44: {  	_ =	shalt  }
0x45: {  	_ =	shalt  }
0x46: {  	_ =	shalt  }
0x47: {  	_ =	shalt  }
0x48: {  	_ =	shalt  }
0x49: {  	_ =	shalt  }
0x4a: {  	_ =	shalt  }
0x4b: {  	_ =	shalt  }
0x4c: {  	_ =	shalt  }
0x4d: {  	_ =	shalt  }
0x4e: {  	_ =	shalt  }
0x4f: {  	_ =	shalt  }
0x50: {  	_ =	shalt  }
0x51: {  	_ =	shalt  }
0x52: {  	_ =	shalt  }
0x53: {  	_ =	shalt  }
0x54: {  	_ =	shalt  }
0x55: {  	_ =	shalt  }
0x56: {  	_ =	shalt  }
0x57: {  	_ =	shalt  }
0x58: {  	_ =	shalt  }
0x59: {  	_ =	shalt  }
0x5a: {  	_ =	shalt  }
0x5b: {  	_ =	shalt  }
0x5c: {  	_ =	shalt  }
0x5d: {  	_ =	shalt  }
0x5e: {  	_ =	shalt  }
0x5f: {  	_ =	shalt  }
0x60: {  	_ =	shalt  }
0x61: {  	_ =	shalt  }
0x62: {  	_ =	shalt  }
0x63: {  	_ =	shalt  }
0x64: {  	_ =	shalt  }
0x65: {  	_ =	shalt  }
0x66: {  	_ =	shalt  }
0x67: {  	_ =	shalt  }
0x68: {  	_ =	shalt  }
0x69: {  	_ =	shalt  }
0x6a: {  	_ =	shalt  }
0x6b: {  	_ =	shalt  }
0x6c: {  	_ =	shalt  }
0x6d: {  	_ =	shalt  }
0x6e: {  	_ =	shalt  }
0x6f: {  	_ =	shalt  }
0x70: {  	_ =	shalt  }
0x71: {  	_ =	shalt  }
0x72: {  	_ =	shalt  }
0x73: {  	_ =	shalt  }
0x74: {  	_ =	shalt  }
0x75: {  	_ =	shalt  }
0x76: {  	_ =	shalt  }
0x77: {  	_ =	shalt  }
0x78: {  	_ =	shalt  }
0x79: {  	_ =	shalt  }
0x7a: {  	_ =	shalt  }
0x7b: {  	_ =	shalt  }
0x7c: {  	_ =	shalt  }
0x7d: {  	_ =	shalt  }
0x7e: {  	_ =	shalt  }
0x7f: {  	_ =	shalt  }
0x80: {  	_ =	shalt  }
0x81: {  	_ =	shalt  }
0x82: {  	_ =	shalt  }
0x83: {  	_ =	shalt  }
0x84: {  	_ =	shalt  }
0x85: {  	_ =	shalt  }
0x86: {  	_ =	shalt  }
0x87: {  	_ =	shalt  }
.Lfunc_end0:
.L_simem_size_0:
called_computation_lowered:
.L_overlay_start_0:
0x88: {  	s2 =	sld [smem:$0x3FD9]  }
0x89: {  	s3 =	sld [smem:$0x3FFE];
	_ =	sdelay $0x1  }
0x8a: {  	s1 =	srdreg.scid  }
0x8b: {  	s0 =	sand.u32 $0x1, s1  }
0x8c: {  	s15 =	sshll.u32 s0, $0xA;
	s2 =	sadd.s32 s3, s2  }
0x8d: {  	s2 =	sadd.s32 s2, s15  }
0x8e: {  	[smem:$0x3FC5] =	sst s2  }
0x8f: {  	_ = 	snop  }
0x90: {  	s2 =	sld [smem:$0x3FD0]  }
0x91: {  	s16 =	sld [smem:$0x3FC9]  }
0x92: {  	s4 =	sld [smem:$0x3FC8]  }
0x93: {  	s6 =	simm.s32 $0xA;
	s7 =	simm.s32 $0x10;
	s5 =	sld [smem:$0x3FC7]  }
0x94: {  	[smem:s7], [sflag:s6] =	dma.local [hbm:s2], $0x1  }
0x95: {  	_ =	swait.eq [sflag:s6], $0x1  }
0x96: {  	s17 =	sld [smem:$0x10]  }
0x97: {  	s18 =	sld [smem:$0x11];
	[sflag:s6] =	ssyncset.done $0x0  }
0x98: {  	s8 =	sld [smem:$0x12];
	[sflag:s6] =	ssyncadd.s32 $0xFFFFFFFF  }
0x99: {  	s19 =	sld [smem:$0x13];
	(tm) =	ssettm $0x1  }
0x9a: {  	s9 =	sld [smem:$0x3FFB];
	_ =	sdelay $0x3  }
0x9b: {  	_ =	strace s9  }
0x9c: {  	s9 =	sld [smem:$0x3FFC];
	_ =	sdelay $0x3  }
0x9d: {  	_ =	strace s9  }
0x9e: {  	s9 =	sld [smem:$0x3FFD];
	_ =	sdelay $0x3  }
0x9f: {  	_ =	strace s9  }
0xa0: {  	_ =	strace $0x8FFFFFFF  }
0xa1: {  	s20 =	sld [smem:$0x3FDB];
	_ =	sdelay $0x1  }
0xa2: {  	s10 =	simm.s32 $_scs_section_size  }
0xa3: {  	s11 =	simm.s32 $_size__tile_overlayer_lowered;
	s12 =	simm.s32 $_tile_overlayer_lowered  }
0xa4: {  	s23 =	simm.s32 $0x1BFF;
	s22 =	sshll.u32 s12, $0x1;
	s9 =	sadd.s32 s10, s20  }
0xa5: {  	s13 =	simm.s32 $0x0;
	s21 =	sshll.u32 s11, $0x1;
	s11 =	sadd.s32 s22, s9  }
0xa6: {  	[timem:s13], [sflag:s23] =	dma.local [hbm:s11], s21  }
0xa7: {  	_ =	swait.ge [sflag:s23], s21  }
0xa8: {  	s10 =	ssub.s32 $0x0, s21;
	[sflag:s23] =	ssyncset.done $0x0  }
0xa9: {  	[sflag:s23] =	ssyncadd.s32 s10;
	_ =	sdelay $0x1  }
0xaa: {  	s24 =	simm.s32 $0x1B8B  }
0xab: {  	_ =	swait.ge [sflag:s24], $0x1  }
0xac: {  	[sflag:s24] =	ssyncset.done $0x0  }
0xad: {  	s25 =	simm.s32 $0x1B8E;
	[sflag:s24] =	ssyncadd.s32 $0xFFFFFFFF  }
0xae: {  	s26 =	simm.s32 $execute0_lowered;
	[smem:$0x3FD2] =	sst s25  }
0xaf: {  	s10 =	sshll.u32 s26, $0x1;
	_ =	strace $0x80000046;
	[dreg:$0x1] =	wrdreg $0xFFFFFFFF  }
0xb0: {  	s28 =	simm.s32 $_size_execute0_lowered;
	s9 =	sadd.s32 s9, s10;
	[dreg:$0x0] =	wrdreg $0x0  }
0xb1: {  	s10 =	sshll.u32 s28, $0x1;
	[dreg:$0x2] =	wrdreg s9  }
0xb2: {  	[dreg:$0x3] =	wrdreg s10  }
0xb3: {  	[dreg:$0x4] =	wrdreg $0xC0  }
0xb4: {  	_ =	task [dreg:s13], $0x5FFFF  }
0xb5: {  	[dreg:$0x1] =	wrdreg $0xFFFFFFFF  }
0xb6: {  	[dreg:$0x0] =	wrdreg $0x60  }
0xb7: {  	[dreg:$0x2] =	wrdreg s16  }
0xb8: {  	[dreg:$0x3] =	wrdreg s4  }
0xb9: {  	[dreg:$0x4] =	wrdreg s5  }
0xba: {  	[dreg:$0x5] =	wrdreg s17  }
0xbb: {  	[dreg:$0x6] =	wrdreg s18  }
0xbc: {  	[dreg:$0x7] =	wrdreg s8  }
0xbd: {  	[dreg:$0x8] =	wrdreg s19  }
0xbe: {  	[dreg:$0x9] =	wrdreg $0x9  }
0xbf: {  	_ =	task.clear_ibuf [dreg:s13], $0xAFFFF;
	_ =	strace $0x90000046  }
0xc0: {  	s29 =	simm.s32 $0x9;
	_ =	strace $0x80000048  }
0xc1: {  	_ =	swait.ge [sflag:s29], $0x1  }
0xc2: {  	[sflag:s29] =	ssyncadd.s32 $0xFFFFFFFF  }
0xc3: {  	_ =	strace $0x90000048  }
0xc4: {  	_ =	sfence  }
0xc5: {  	s30 =	sld [smem:$0x0];
	_ =	sdelay $0x2  }
0xc6: {  	s31 =	sshll.u32 s1, $0xD;
	s1 =	sshrl.u32 s1, $0x2  }
0xc7: {  	s3 =	sand.u32 $0x4000, s31;
	s1 =	sadd.s32 s1, s30  }
0xc8: {  	s0 =	sor.u32 s3, s0;
	s1 =	sshll.u32 s1, $0x11  }
0xc9: {  	s0 =	sor.u32 s1, s0  }
0xca: {  	s0 =	sadd.s32 $0x8F2B, s0  }
0xcb: {  	[sflag:s0] =	ssyncadd.remote.s32 $0x1  }
0xcc: {  	_ =	sfence.sel $0xFFFF  }
0xcd: {  	[dreg:$0x0] =	wrdreg $0xFFFFFFFF;
	(pc) =	sbr.abs _section_cstart, $3  }
0xce: {  	[dreg:$0x1] =	wrdreg $0xFFFFFFFF  }
0xcf: {  	_ =	task.clear_ibuf [dreg:s13], $0x2FFFF;
	_ =	strace $0x9FFFFFFF  }
0xd0: {  	(tm) =	ssettm $0x7FFFFFFF  }
0xd1: {  	_ =	shalt  }
tec
execute0_lowered:
.L_overlay_start_1:
0x0: {  	(tag) =	ssettag $0x1  }
0x1: {  	s5 =	rddreg [dreg:$0x0]  }
0x2: {  	s0 =	rddreg [dreg:$0x1]  }
0x3: {  	s2 =	rddreg [dreg:$0x2]  }
0x4: {  	s6 =	rddreg [dreg:$0x3]  }
0x5: {  	s7 =	rddreg [dreg:$0x4]  }
0x6: {  	s3 =	srdreg.scid;
	s8 =	rddreg [dreg:$0x5]  }
0x7: {  	s1 =	stileid.u32;
	v0 =	vimm.s32 $0x76543210;
	s10 =	rddreg [dreg:$0x6];
	v1 =	vimm.s32 $0x54321098  }
0x8: {  	v2 =	vimm.s32 $0x43210FED;
	v3 =	vimm.s32 $0xCBA98765;
	s16 =	simm.s32 $0x4200;
	s17 =	simm.s32 $0x1;
	s18 =	simm.s32 $0x100  }
0x9: {  	v4 =	vimm.s32 $0x10987654;
	v5 =	vimm.s32 $0x98765432;
	s19 =	simm.s32 $0x2;
	s20 =	simm.s32 $0x180;
	s21 =	simm.s32 $0x8200;
	v0 =	vunpack.c.l.s4.s8 v0  }
0xa: {  	v7 =	vimm.s32 $0xFEDCBA98;
	s22 =	simm.s32 $0x8810;
	s9 =	sand.u32 $0x1, s3;
	s4 =	sshll.u32 s1, $0x1;
	v2 =	vunpack.c.l.s4.s8 v2;
	v3 =	vunpack.c.l.s4.s8 v3  }
0xb: {  	s23 =	simm.s32 $0x8E20;
	s3 =	simm.s32 $0x0;
	s11 =	sor.u32 s9, s4;
	v6 =	vunpack.c.0.s8.s32 v0;
	v0 =	vunpack.c.l.s4.s8 v1;
	v1 =	vimm.s32 $0x32109876  }
0xc: {  	s24 =	simm.s32 $0x0;
	v4 =	vunpack.c.l.s4.s8 v4;
	v7 =	vunpack.c.l.s4.s8 v7;
	[smem:$0x7FF] =	sst s3;
	s12 =	smul.u32 $0x280, s11;
	v1 =	vunpack.c.l.s4.s8 v1  }
0xd: {  	v5 =	vunpack.c.l.s4.s8 v5;
	s9 =	ssub.s32 $0x2, s9;
	_ =	strace $0x80000047;
	s13 =	smul.u32 $0xC0, s11;
	v2 =	vunpack.c.0.s8.s32 v2;
	v3 =	vunpack.c.0.s8.s32 v3  }
0xe: {  	s14 =	sshrl.u32 s9, $0x1;
	s15 =	sshll.u32 s11, $0x6;
	s11 =	smul.u32 $0x1140, s11;
	v7 =	vunpack.c.0.s8.s32 v7;
	v8 =	vunpack.c.0.s8.s32 v0;
	v9 =	vunpack.c.0.s8.s32 v1  }
0xf: {  	v4 =	vunpack.c.0.s8.s32 v4;
	v5 =	vunpack.c.0.s8.s32 v5;
	s14 =	ssub.s32 s9, s14;
	s5 =	sadd.s32 s5, s15;
	s15 =	simm.s32 $0x11840;
	v0 =	vcombine.low v3, v2  }
0x10: {  	s6 =	sadd.s32 s6, s12;
	s7 =	sadd.s32 s7, s13;
	s8 =	sadd.s32 s8, s13;
	v7 =	vand.u32 $0xF, v7;
	v1 =	vcombine.low v6, v8;
	v2 =	vcombine.low v8, v9  }
0x11: {  	s9 =	sadd.s32 s10, s11;
	s10 =	smax.u32 s14, $0x1;
	s11 =	simm.s32 $0x3;
	v3 =	vcombine.low v9, v4;
	v4 =	vcombine.low v4, v5;
	v5 =	vand.u32 $0xF, v5  }
0x12: {  	s12 =	simm.s32 $0x80;
	s13 =	simm.s32 $0x200;
	s14 =	simm.s32 $0x11830;
	v5 =	vcombine.low v5, v6;
	v6 =	vcombine.low v7, v6  }
.LBB2_1:
0x13: {  	[tilespmem:s3], [sflag:$0x3] =	stream.linear.gather [hbm4b:s5+s3], $0x200, $0x38;
	[tilespmem:$0x12C40] =	vst v63  }
0x14: {  	_ =	swait.ge [sflag:s11], $0x200  }
0x15: {  	[sflag:s11] =	ssyncset.done $0x0  }
0x16: {  	[sflag:s11] =	ssyncadd.s32 $0xFFFFFE00  }
0x17: {  	[tilespmem:s13], [sflag:$0x1] =	stream.indirect.gather [hbm4b:s2+s12], $0x80, s3, s12, $0xb8;
	[tilespmem:$0x12C40] =	vst v63  }
0x18: {  	_ = 	snop  }
0x19: {  	[tilespmem:s14], [sflag:$0x3] =	stream.linear.gather [hbm4b:s0+s3], $0xA, $0x38;
	[tilespmem:$0x12C40] =	vst v63  }
0x1a: {  	_ =	swait.ge [sflag:s11], $0xA  }
0x1b: {  	[sflag:s11] =	ssyncset.done $0x0  }
0x1c: {  	[sflag:s11] =	ssyncadd.s32 $0xFFFFFFF6  }
0x1d: {  	v11 =	vld [tilespmem:$0x11830];
	_ =	sdelay $0x4  }
0x1e: {  	v7 =	vperm.xlane v11, v1  }
0x1f: {  	v8 =	vperm.xlane v11, v3;
	v9 =	vperm.xlane v11, v5  }
0x20: {  	v10 =	vperm.xlane v11, v2;
	v11 =	vperm.xlane v11, v4  }
0x21: {  	s26 =	simm.s32 $0x140;
	s25 =	simm.s32 $0x0  }
.LBB2_2:
0x22: {  	p0 =	sne.s32 s26, $0x4EC0;
	[tilespmem:s25+$0x11880] =	vst v11;
	s28 =	smov.u32 s26;
	s26 =	sadd.s32 $0x140, s26  }
.Ltmp0:
0x23: {  	[tilespmem:s25+$0x11870] =	vst v10;
	(pc) =	sbr.rel @p0 .LBB2_2-.Ltmp0, $4  }
0x24: {  	[tilespmem:s25+$0x11860] =	vst v9  }
0x25: {  	[tilespmem:s25+$0x11840] =	vst v7  }
0x26: {  	[tilespmem:s25+$0x11850] =	vst v8  }
0x27: {  	s25 =	sshra.s32 s28, $0x2  }
0x28: {  	[tilespmem:s25+$0x11880] =	vst v11  }
0x29: {  	[tilespmem:s25+$0x11870] =	vst v10  }
0x2a: {  	[tilespmem:s25+$0x11860] =	vst v9  }
0x2b: {  	[tilespmem:s25+$0x11840] =	vst v7  }
0x2c: {  	[tilespmem:s25+$0x11850] =	vst v8;
	s4 =	simm.s32 $0x0  }
0x2d: {  	[hbm4b:s6+s4] =	stream.linear.scatter [tilespmem:s15], [sflag:$0x3], $0x1400, $0x38;
	[tilespmem:$0x12C40] =	vst v63  }
0x2e: {  	_ =	swait.ge [sflag:s11], $0x1400  }
0x2f: {  	[sflag:s11] =	ssyncset.done $0x0  }
0x30: {  	[sflag:s11] =	ssyncadd.s32 $0xFFFFEC00  }
0x31: {  	[tilespmem:s16], [sflag:$0x2] =	stream.indirect.gather [hbm4b:s2+s12], $0x80, s12, s12, $0xb8;
	[tilespmem:$0x12C40] =	vst v63  }
0x32: {  	_ =	swait.ge [sflag:s17], $0x4000  }
0x33: {  	[sflag:s17] =	ssyncset.done $0x0  }
0x34: {  	s28 =	simm.s32 $0x220;
	[sflag:s17] =	ssyncadd.s32 $0xFFFFC000  }
0x35: {  	v7 =	vld [tilespmem:s28+$0xFFFFFFE0];
	_ =	sdelay $0x3  }
0x36: {  	s26 =	simm.s32 $0x8E20  }
0x37: {  	v8 =	vld [tilespmem:s28+$0x20];
	[tilespmem:s26+$0x0] =	vst v7  }
0x38: {  	v7 =	vld [tilespmem:s28+$0xFFFFFFF0];
	_ =	sdelay $0x3  }
0x39: {  	s29 =	sand.u32 $0x3FFF, s4  }
0x3a: {  	[tilespmem:s29+$0x8E30] =	vst v7  }
0x3b: {  	v7 =	vld [tilespmem:s28+$0x0];
	_ =	sdelay $0x4  }
0x3c: {  	[tilespmem:s29+$0x8E40] =	vst v7  }
0x3d: {  	v7 =	vld [tilespmem:s28+$0x10];
	_ =	sdelay $0x3  }
0x3e: {  	v9 =	vperm.xlane v8, v0;
	[tilespmem:s29+$0x8E60] =	vst v8  }
0x3f: {  	s25 =	simm.s32 $0x8200;
	[tilespmem:s29+$0x8E50] =	vst v7;
	v7 =	vperm.xlane v8, v6  }
0x40: {  	s28 =	simm.s32 $0x8810;
	[tilespmem:s25+$0x0] =	vst v9  }
0x41: {  	s29 =	simm.s32 $0x2A0;
	[tilespmem:s28+$0x0] =	vst v7  }
0x42: {  	v8 =	vld [tilespmem:s29+$0xFFFFFFE0];
	_ =	sdelay $0x1  }
0x43: {  	s30 =	simm.s32 $0x45;
	s31 =	simm.s32 $0x8A;
	v7 =	vld [tilespmem:s29+$0x20]  }
.LBB2_4:
0x44: {  	p0 =	sne.s32 s31, $0x223B  }
0x45: {  	s26 =	sadd.s32 $0x45, s26  }
0x46: {  	[tilespmem:s26+$0x0] =	vst v8  }
0x47: {  	v8 =	vld [tilespmem:s29+$0xFFFFFFF0];
	_ =	sdelay $0x3  }
0x48: {  	s4 =	sand.u32 $0x3FFF, s30;
	s30 =	smov.u32 s31  }
0x49: {  	[tilespmem:s4+$0x8E30] =	vst v8  }
0x4a: {  	v8 =	vld [tilespmem:s29+$0x0];
	_ =	sdelay $0x4  }
0x4b: {  	[tilespmem:s4+$0x8E40] =	vst v8  }
0x4c: {  	v8 =	vld [tilespmem:s29+$0x10];
	[tilespmem:s4+$0x8E60] =	vst v7;
	_ =	sdelay $0x3  }
0x4d: {  	v9 =	vperm.xlane v7, v0  }
0x4e: {  	s25 =	sadd.s32 $0x3, s25;
	v7 =	vperm.xlane v7, v6;
	[tilespmem:s4+$0x8E50] =	vst v8  }
.Ltmp1:
0x4f: {  	s28 =	sadd.s32 $0x3, s28;
	[tilespmem:s25+$0x0] =	vst v9;
	(pc) =	sbr.rel @p0 .LBB2_4-.Ltmp1, $4  }
0x50: {  	s29 =	sadd.s32 $0x80, s29;
	[tilespmem:s28+$0x0] =	vst v7  }
0x51: {  	v8 =	vld [tilespmem:s29+$0xFFFFFFE0]  }
0x52: {  	v7 =	vld [tilespmem:s29+$0x20]  }
0x53: {  	s31 =	sadd.s32 $0x45, s31  }
0x54: {  	_ = 	snop  }
0x55: {  	s4 =	sadd.s32 $0x45, s26  }
0x56: {  	[tilespmem:s4+$0x0] =	vst v8  }
0x57: {  	v8 =	vld [tilespmem:s29+$0xFFFFFFF0];
	_ =	sdelay $0x3  }
0x58: {  	s30 =	sand.u32 $0x3FFF, s30  }
0x59: {  	[tilespmem:s30+$0x8E30] =	vst v8  }
0x5a: {  	v8 =	vld [tilespmem:s29+$0x0];
	_ =	sdelay $0x4  }
0x5b: {  	[tilespmem:s30+$0x8E40] =	vst v8  }
0x5c: {  	v8 =	vld [tilespmem:s29+$0x10];
	_ =	sdelay $0x3  }
0x5d: {  	v9 =	vperm.xlane v7, v0;
	[tilespmem:s30+$0x8E60] =	vst v7  }
0x5e: {  	s31 =	sadd.s32 $0x3, s25;
	v7 =	vperm.xlane v7, v6;
	[tilespmem:s30+$0x8E50] =	vst v8  }
0x5f: {  	s25 =	sadd.s32 $0x3, s28;
	[tilespmem:s31+$0x0] =	vst v9  }
0x60: {  	[tilespmem:s25+$0x0] =	vst v7  }
0x61: {  	[tilespmem:s13], [sflag:$0x1] =	stream.indirect.gather [hbm4b:s2+s12], $0x80, s18, s12, $0xb8;
	[tilespmem:$0x12C40] =	vst v63  }
0x62: {  	_ =	swait.ge [sflag:s19], $0x4000  }
0x63: {  	[sflag:s19] =	ssyncset.done $0x0  }
0x64: {  	s26 =	simm.s32 $0x4220;
	[sflag:s19] =	ssyncadd.s32 $0xFFFFC000  }
0x65: {  	v7 =	vld [tilespmem:s26+$0xFFFFFFE0];
	_ =	sdelay $0x2  }
0x66: {  	s25 =	simm.s32 $0x0  }
0x67: {  	s30 =	sand.u32 $0x3FFF, s25  }
0x68: {  	v8 =	vld [tilespmem:s26+$0x20];
	[tilespmem:s30+$0xB0A0] =	vst v7  }
0x69: {  	v7 =	vld [tilespmem:s26+$0xFFFFFFF0];
	_ =	sdelay $0x4  }
0x6a: {  	[tilespmem:s30+$0xB0B0] =	vst v7  }
0x6b: {  	v7 =	vld [tilespmem:s26+$0x0];
	_ =	sdelay $0x4  }
0x6c: {  	[tilespmem:s30+$0xB0C0] =	vst v7  }
0x6d: {  	v7 =	vld [tilespmem:s26+$0x10];
	_ =	sdelay $0x3  }
0x6e: {  	v63 =	vperm.xlane v8, v6;
	[tilespmem:s30+$0xB0E0] =	vst v8  }
0x6f: {  	s31 =	sand.u32 $0x1FF, s25;
	v8 =	vperm.xlane v8, v0;
	[tilespmem:s30+$0xB0D0] =	vst v7  }
0x70: {  	[tilespmem:s31+$0x8990] =	vst v63  }
0x71: {  	s28 =	simm.s32 $0x42A0;
	[tilespmem:s31+$0x8380] =	vst v8  }
0x72: {  	v7 =	vld [tilespmem:s28+$0xFFFFFFE0]  }
0x73: {  	s29 =	simm.s32 $0x6;
	s26 =	simm.s32 $0x3  }
.LBB2_6:
0x74: {  	p0 =	sne.s32 s29, $0x17D  }
0x75: {  	s25 =	sadd.s32 $0x45, s25  }
0x76: {  	s4 =	sand.u32 $0x3FFF, s25  }
0x77: {  	v8 =	vld [tilespmem:s28+$0x20];
	[tilespmem:s4+$0xB0A0] =	vst v7  }
0x78: {  	v7 =	vld [tilespmem:s28+$0xFFFFFFF0];
	_ =	sdelay $0x3  }
0x79: {  	v9 =	vperm.xlane v8, v0  }
0x7a: {  	[tilespmem:s4+$0xB0B0] =	vst v7  }
0x7b: {  	v7 =	vld [tilespmem:s28+$0x0];
	_ =	sdelay $0x4  }
0x7c: {  	[tilespmem:s4+$0xB0C0] =	vst v7  }
0x7d: {  	v7 =	vld [tilespmem:s28+$0x10];
	_ =	sdelay $0x3  }
0x7e: {  	[tilespmem:s4+$0xB0E0] =	vst v8;
	v8 =	vperm.xlane v8, v6  }
.Ltmp2:
0x7f: {  	[tilespmem:s4+$0xB0D0] =	vst v7;
	s4 =	sand.u32 $0x1FF, s26;
	s26 =	smov.u32 s29;
	(pc) =	sbr.rel @p0 .LBB2_6-.Ltmp2, $4  }
0x80: {  	[tilespmem:s4+$0x8990] =	vst v8  }
0x81: {  	s28 =	sadd.s32 $0x80, s28;
	[tilespmem:s4+$0x8380] =	vst v9  }
0x82: {  	v7 =	vld [tilespmem:s28+$0xFFFFFFE0]  }
0x83: {  	s29 =	sadd.s32 $0x3, s29  }
0x84: {  	_ = 	snop  }
0x85: {  	s4 =	sadd.s32 $0x45, s25  }
0x86: {  	s4 =	sand.u32 $0x3FFF, s4  }
0x87: {  	v8 =	vld [tilespmem:s28+$0x20];
	[tilespmem:s4+$0xB0A0] =	vst v7  }
0x88: {  	v7 =	vld [tilespmem:s28+$0xFFFFFFF0];
	_ =	sdelay $0x4  }
0x89: {  	[tilespmem:s4+$0xB0B0] =	vst v7  }
0x8a: {  	v7 =	vld [tilespmem:s28+$0x0];
	_ =	sdelay $0x4  }
0x8b: {  	[tilespmem:s4+$0xB0C0] =	vst v7  }
0x8c: {  	v7 =	vld [tilespmem:s28+$0x10];
	_ =	sdelay $0x3  }
0x8d: {  	v9 =	vperm.xlane v8, v6;
	[tilespmem:s4+$0xB0E0] =	vst v8  }
0x8e: {  	s25 =	sand.u32 $0x1FF, s26;
	v8 =	vperm.xlane v8, v0;
	[tilespmem:s4+$0xB0D0] =	vst v7  }
0x8f: {  	[tilespmem:s25+$0x8990] =	vst v9  }
0x90: {  	[tilespmem:s25+$0x8380] =	vst v8  }
0x91: {  	[tilespmem:s16], [sflag:$0x2] =	stream.indirect.gather [hbm4b:s2+s12], $0x80, s20, s12, $0xb8;
	[tilespmem:$0x12C40] =	vst v63  }
0x92: {  	_ =	swait.ge [sflag:s17], $0x4000  }
0x93: {  	[sflag:s17] =	ssyncset.done $0x0  }
0x94: {  	s26 =	simm.s32 $0x220;
	[sflag:s17] =	ssyncadd.s32 $0xFFFFC000  }
0x95: {  	v7 =	vld [tilespmem:s26+$0xFFFFFFE0];
	_ =	sdelay $0x2  }
0x96: {  	s25 =	simm.s32 $0x0  }
0x97: {  	s30 =	sand.u32 $0x3FFF, s25  }
0x98: {  	v8 =	vld [tilespmem:s26+$0x20];
	[tilespmem:s30+$0xD320] =	vst v7  }
0x99: {  	v7 =	vld [tilespmem:s26+$0xFFFFFFF0];
	_ =	sdelay $0x4  }
0x9a: {  	[tilespmem:s30+$0xD330] =	vst v7  }
0x9b: {  	v7 =	vld [tilespmem:s26+$0x0];
	_ =	sdelay $0x4  }
0x9c: {  	[tilespmem:s30+$0xD340] =	vst v7  }
0x9d: {  	v7 =	vld [tilespmem:s26+$0x10];
	_ =	sdelay $0x3  }
0x9e: {  	v63 =	vperm.xlane v8, v6;
	[tilespmem:s30+$0xD360] =	vst v8  }
0x9f: {  	s31 =	sand.u32 $0x1FF, s25;
	v8 =	vperm.xlane v8, v0;
	[tilespmem:s30+$0xD350] =	vst v7  }
0xa0: {  	[tilespmem:s31+$0x8B10] =	vst v63  }
0xa1: {  	s28 =	simm.s32 $0x2A0;
	[tilespmem:s31+$0x8500] =	vst v8  }
0xa2: {  	v7 =	vld [tilespmem:s28+$0xFFFFFFE0]  }
0xa3: {  	s29 =	simm.s32 $0x6;
	s26 =	simm.s32 $0x3  }
.LBB2_8:
0xa4: {  	p0 =	sne.s32 s29, $0x17D  }
0xa5: {  	s25 =	sadd.s32 $0x45, s25  }
0xa6: {  	s4 =	sand.u32 $0x3FFF, s25  }
0xa7: {  	v8 =	vld [tilespmem:s28+$0x20];
	[tilespmem:s4+$0xD320] =	vst v7  }
0xa8: {  	v7 =	vld [tilespmem:s28+$0xFFFFFFF0];
	_ =	sdelay $0x3  }
0xa9: {  	v9 =	vperm.xlane v8, v0  }
0xaa: {  	[tilespmem:s4+$0xD330] =	vst v7  }
0xab: {  	v7 =	vld [tilespmem:s28+$0x0];
	_ =	sdelay $0x4  }
0xac: {  	[tilespmem:s4+$0xD340] =	vst v7  }
0xad: {  	v7 =	vld [tilespmem:s28+$0x10];
	_ =	sdelay $0x3  }
0xae: {  	[tilespmem:s4+$0xD360] =	vst v8;
	v8 =	vperm.xlane v8, v6  }
.Ltmp3:
0xaf: {  	[tilespmem:s4+$0xD350] =	vst v7;
	s4 =	sand.u32 $0x1FF, s26;
	s26 =	smov.u32 s29;
	(pc) =	sbr.rel @p0 .LBB2_8-.Ltmp3, $4  }
0xb0: {  	[tilespmem:s4+$0x8B10] =	vst v8  }
0xb1: {  	s28 =	sadd.s32 $0x80, s28;
	[tilespmem:s4+$0x8500] =	vst v9  }
0xb2: {  	v7 =	vld [tilespmem:s28+$0xFFFFFFE0]  }
0xb3: {  	s29 =	sadd.s32 $0x3, s29  }
0xb4: {  	_ = 	snop  }
0xb5: {  	s4 =	sadd.s32 $0x45, s25  }
0xb6: {  	s4 =	sand.u32 $0x3FFF, s4  }
0xb7: {  	v8 =	vld [tilespmem:s28+$0x20];
	[tilespmem:s4+$0xD320] =	vst v7  }
0xb8: {  	v7 =	vld [tilespmem:s28+$0xFFFFFFF0];
	_ =	sdelay $0x4  }
0xb9: {  	[tilespmem:s4+$0xD330] =	vst v7  }
0xba: {  	v7 =	vld [tilespmem:s28+$0x0];
	_ =	sdelay $0x4  }
0xbb: {  	[tilespmem:s4+$0xD340] =	vst v7  }
0xbc: {  	v7 =	vld [tilespmem:s28+$0x10];
	_ =	sdelay $0x3  }
0xbd: {  	v9 =	vperm.xlane v8, v6;
	[tilespmem:s4+$0xD360] =	vst v8  }
0xbe: {  	s25 =	sand.u32 $0x1FF, s26;
	v8 =	vperm.xlane v8, v0;
	[tilespmem:s4+$0xD350] =	vst v7  }
0xbf: {  	[tilespmem:s25+$0x8B10] =	vst v9  }
0xc0: {  	[tilespmem:s25+$0x8500] =	vst v8  }
0xc1: {  	_ =	swait.ge [sflag:s19], $0x4000  }
0xc2: {  	[sflag:s19] =	ssyncset.done $0x0  }
0xc3: {  	s26 =	simm.s32 $0x4220;
	[sflag:s19] =	ssyncadd.s32 $0xFFFFC000  }
0xc4: {  	v7 =	vld [tilespmem:s26+$0xFFFFFFE0];
	_ =	sdelay $0x2  }
0xc5: {  	s25 =	simm.s32 $0x0  }
0xc6: {  	s30 =	sand.u32 $0x3FFF, s25  }
0xc7: {  	v8 =	vld [tilespmem:s26+$0x20];
	[tilespmem:s30+$0xF5A0] =	vst v7  }
0xc8: {  	v7 =	vld [tilespmem:s26+$0xFFFFFFF0];
	_ =	sdelay $0x4  }
0xc9: {  	[tilespmem:s30+$0xF5B0] =	vst v7  }
0xca: {  	v7 =	vld [tilespmem:s26+$0x0];
	_ =	sdelay $0x4  }
0xcb: {  	[tilespmem:s30+$0xF5C0] =	vst v7  }
0xcc: {  	v7 =	vld [tilespmem:s26+$0x10];
	_ =	sdelay $0x3  }
0xcd: {  	v63 =	vperm.xlane v8, v6;
	[tilespmem:s30+$0xF5E0] =	vst v8  }
0xce: {  	s31 =	sand.u32 $0x1FF, s25;
	v8 =	vperm.xlane v8, v0;
	[tilespmem:s30+$0xF5D0] =	vst v7  }
0xcf: {  	[tilespmem:s31+$0x8C90] =	vst v63  }
0xd0: {  	s28 =	simm.s32 $0x42A0;
	[tilespmem:s31+$0x8680] =	vst v8  }
0xd1: {  	v7 =	vld [tilespmem:s28+$0xFFFFFFE0]  }
0xd2: {  	s29 =	simm.s32 $0x6;
	s26 =	simm.s32 $0x3  }
.LBB2_10:
0xd3: {  	p0 =	sne.s32 s29, $0x17D  }
0xd4: {  	s25 =	sadd.s32 $0x45, s25  }
0xd5: {  	s4 =	sand.u32 $0x3FFF, s25  }
0xd6: {  	v8 =	vld [tilespmem:s28+$0x20];
	[tilespmem:s4+$0xF5A0] =	vst v7  }
0xd7: {  	v7 =	vld [tilespmem:s28+$0xFFFFFFF0];
	_ =	sdelay $0x3  }
0xd8: {  	v9 =	vperm.xlane v8, v0  }
0xd9: {  	[tilespmem:s4+$0xF5B0] =	vst v7  }
0xda: {  	v7 =	vld [tilespmem:s28+$0x0];
	_ =	sdelay $0x4  }
0xdb: {  	[tilespmem:s4+$0xF5C0] =	vst v7  }
0xdc: {  	v7 =	vld [tilespmem:s28+$0x10];
	_ =	sdelay $0x3  }
0xdd: {  	[tilespmem:s4+$0xF5E0] =	vst v8;
	v8 =	vperm.xlane v8, v6  }
.Ltmp4:
0xde: {  	[tilespmem:s4+$0xF5D0] =	vst v7;
	s4 =	sand.u32 $0x1FF, s26;
	s26 =	smov.u32 s29;
	(pc) =	sbr.rel @p0 .LBB2_10-.Ltmp4, $4  }
0xdf: {  	[tilespmem:s4+$0x8C90] =	vst v8  }
0xe0: {  	s28 =	sadd.s32 $0x80, s28;
	[tilespmem:s4+$0x8680] =	vst v9  }
0xe1: {  	v7 =	vld [tilespmem:s28+$0xFFFFFFE0]  }
0xe2: {  	s29 =	sadd.s32 $0x3, s29  }
0xe3: {  	_ = 	snop  }
0xe4: {  	s4 =	sadd.s32 $0x45, s25  }
0xe5: {  	s4 =	sand.u32 $0x3FFF, s4  }
0xe6: {  	v8 =	vld [tilespmem:s28+$0x20];
	[tilespmem:s4+$0xF5A0] =	vst v7  }
0xe7: {  	v7 =	vld [tilespmem:s28+$0xFFFFFFF0];
	_ =	sdelay $0x4  }
0xe8: {  	[tilespmem:s4+$0xF5B0] =	vst v7  }
0xe9: {  	v7 =	vld [tilespmem:s28+$0x0];
	_ =	sdelay $0x4  }
0xea: {  	[tilespmem:s4+$0xF5C0] =	vst v7  }
0xeb: {  	v7 =	vld [tilespmem:s28+$0x10];
	_ =	sdelay $0x3  }
0xec: {  	v9 =	vperm.xlane v8, v6;
	[tilespmem:s4+$0xF5E0] =	vst v8  }
0xed: {  	s31 =	sand.u32 $0x1FF, s26;
	v8 =	vperm.xlane v8, v0;
	[tilespmem:s4+$0xF5D0] =	vst v7  }
0xee: {  	[tilespmem:s31+$0x8C90] =	vst v9  }
0xef: {  	[tilespmem:s31+$0x8680] =	vst v8  }
0xf0: {  	[hbm4b:s7+s3] =	stream.linear.scatter [tilespmem:s21], [sflag:$0x3], $0x600, $0x38;
	[tilespmem:$0x12C40] =	vst v63  }
0xf1: {  	_ =	swait.ge [sflag:s11], $0x600  }
0xf2: {  	[sflag:s11] =	ssyncset.done $0x0  }
0xf3: {  	[sflag:s11] =	ssyncadd.s32 $0xFFFFFA00  }
0xf4: {  	[hbm4b:s8+s3] =	stream.linear.scatter [tilespmem:s22], [sflag:$0x3], $0x600, $0x38;
	[tilespmem:$0x12C40] =	vst v63  }
0xf5: {  	s24 =	sadd.s32 $0x1, s24;
	_ =	swait.ge [sflag:s11], $0x600  }
0xf6: {  	p0 =	sne.s32 s24, s10;
	[sflag:s11] =	ssyncset.done $0x0  }
.Ltmp5:
0xf7: {  	[sflag:s11] =	ssyncadd.s32 $0xFFFFFA00;
	(pc) =	sbr.rel @p0 .LBB2_1-.Ltmp5, $4  }
0xf8: {  	[hbm4b:s9+s3] =	stream.linear.scatter [tilespmem:s23], [sflag:$0x3], $0x8A00, $0x38;
	[tilespmem:$0x12C40] =	vst v63  }
0xf9: {  	_ =	swait.ge [sflag:s11], $0x8A00  }
0xfa: {  	[sflag:s11] =	ssyncset.done $0x0  }
0xfb: {  	[sflag:s11] =	ssyncadd.s32 $0xFFFF7600  }
0xfc: {  	_ =	sfence.sel $0x180000  }
0xfd: {  	[bflag:$0x0] =	sbarrier.arrive $0xFFFF  }
0xfe: {  	_ =	strace $0x90000047  }
0xff: {  	[bflag:$0x2] =	sbarrier.arrive $0xFFFF  }
0x100: {  	p0 =	sne.s32 s1, $0x0;
	s0 =	rddreg [dreg:$0x7]  }
0x101: {  	s0 =	sadd.s32 @!p0 $0x100000, s0  }
0x102: {  	[sflag:s0] =	ssyncadd.tile.s32 @!p0 $0x1;
	_ =	shalt  }
.Lfunc_end2:
_tile_overlayer_lowered:
.L_overlay_start_2:
0x103: {  	(tag) =	ssettag $0x2  }
0x104: {  	s0 =	rddreg [dreg:$0x0];
	s2 =	stileid.u32  }
0x105: {  	s1 =	rddreg [dreg:$0x1];
	p0 =	sne.s32 s2, $0x0  }
0x106: {  	s3 =	rddreg [dreg:$0x2];
	[bflag:$0x3] =	sbarrier.arrive $0xFFFF;
	s2 =	simm.s32 @!p0 $0x1C03  }
0x107: {  	[timem:s3], [sflag:s2] =	dma.local @!p0 [hbm:s0], s1  }
0x108: {  	s0 =	simm.s32 @!p0 $0x3  }
0x109: {  	_ =	swait.ge @!p0 [sflag:s0], s1  }
0x10a: {  	s1 =	ssub.s32 @!p0 $0x0, s1;
	[sflag:s0] =	ssyncset.done @!p0 $0x0  }
0x10b: {  	[sflag:s0] =	ssyncadd.s32 @!p0 s1  }
0x10c: {  	[bflag:$0x3] =	sbarrier.arrive $0xFFFF  }
0x10d: {  	_ =	shalt  }

</sc_bundles>
